<compile_context>
chip_gen: v7x
topology: tpu7x:2x2x1
jax: 0.10.2.dev20260603
libtpu: 0.0.44.dev20260713+nightly
codegen_flags: <defaults>
</compile_context>

<pallas_src>
import functools

import jax
import jax.numpy as jnp
from jax import lax
from jax.experimental import pallas as pl
from jax.experimental.pallas import tpu as pltpu
from jax.experimental.pallas import tpu_sc as plsc

N_NODES = 100000
D = 128
CH = 128
NCHUNK = -(-N_NODES // CH)
LAST = NCHUNK - 1
LAST_ROW0 = N_NODES - CH
NC = 2
NS = 16
NW = NC * NS
BASEN = NCHUNK // NW
EXTRA = NCHUNK % NW
STEPS = BASEN + 1
STAGE = STEPS * CH
NBUF = 7
GLEAD = 2


def _sc_gather(table, idx):
    mesh = plsc.VectorSubcoreMesh(core_axis_name="c", subcore_axis_name="s")

    @functools.partial(
        pl.kernel,
        out_type=jax.ShapeDtypeStruct((N_NODES, D), jnp.float32),
        mesh=mesh,
        scratch_types=(
            [pltpu.VMEM((STAGE,), jnp.int32),
             pltpu.VMEM_SHARED((1024, D), jnp.float32)]
            + [pltpu.VMEM((CH, D), jnp.float32) for _ in range(NBUF)]
            + [pltpu.SemaphoreType.DMA for _ in range(2 * NBUF)]
        ),
    )
    def k(table_hbm, idx_hbm, out_hbm, idx_v, table_sp, *rest):
        bufs = rest[:NBUF]
        gsem = rest[NBUF:2 * NBUF]
        wsem = rest[2 * NBUF:]

        wid = lax.axis_index("s") * NC + lax.axis_index("c")
        start_chunk = BASEN * wid + jnp.minimum(wid, EXTRA)
        n_last = jnp.where(wid < EXTRA, BASEN, BASEN - 1)
        base_stage = jnp.where(wid == NW - 1, N_NODES - STAGE,
                               start_chunk * CH)
        base_stage = pl.multiple_of(base_stage, 8)

        def out_row(t):
            c = start_chunk + jnp.minimum(t, n_last)
            return pl.multiple_of(jnp.where(c == LAST, LAST_ROW0, c * CH), 8)

        def gather_desc(t, slot):
            io = pl.multiple_of(out_row(t) - base_stage, 8)
            return pltpu.make_async_copy(
                table_sp.at[idx_v.at[pl.ds(io, CH)]],
                bufs[slot], gsem[slot])

        def write_desc(t, slot):
            return pltpu.make_async_copy(
                bufs[slot], out_hbm.at[pl.ds(out_row(t), CH)],
                wsem[slot])

        sid = lax.axis_index("s")
        rows_per_tile = 1024 // NS
        pltpu.sync_copy(table_hbm.at[pl.ds(sid * rows_per_tile, rows_per_tile)],
                        table_sp.at[pl.ds(sid * rows_per_tile, rows_per_tile)])
        pltpu.sync_copy(idx_hbm.at[pl.ds(base_stage, STAGE)], idx_v)
        plsc.subcore_barrier()

        MID_LO = NBUF - GLEAD
        MID_HI = STEPS - GLEAD

        def step(t, tmod, wait_write, start_gather):
            if wait_write:
                write_desc(t - NBUF + GLEAD, (tmod + GLEAD) % NBUF).wait()
            if start_gather:
                gather_desc(t + GLEAD, (tmod + GLEAD) % NBUF).start()
            gather_desc(t, tmod).wait()
            write_desc(t, tmod).start()

        for t in range(GLEAD):
            gather_desc(t, t % NBUF).start()
        for t in range(MID_LO):
            step(t, t % NBUF, False, True)

        def body(g, carry):
            for b in range(NBUF):
                t = MID_LO + g * NBUF + b
                step(t, (MID_LO + b) % NBUF, True, True)
            return carry

        ngroups = (MID_HI - MID_LO) // NBUF
        lax.fori_loop(0, ngroups, body, 0)
        for t in range(MID_LO + ngroups * NBUF, MID_HI):
            step(t, t % NBUF, True, True)
        for t in range(MID_HI, STEPS):
            step(t, t % NBUF, False, False)
        for t in range(STEPS - NBUF, STEPS):
            write_desc(t, t % NBUF).wait()

    return k(table, idx)


def kernel(graph_feat, node_segment):
    idx = node_segment.astype(jnp.int32)
    return _sc_gather(graph_feat, idx)

# --- scband reference (transcript-rebuilt; emitter-appended) ---
"""Pipeline reference for scband-broadcast-9509057593774 (READ-ONLY COPY).

The authoritative reference and input builder live on the scoring server;
editing this copy changes nothing except your own understanding.
"""

import jax, jax.numpy as jnp
import numpy as np


def setup_inputs(seed: int = 0) -> dict:
    key = jax.random.key(seed)
    k1, k2 = jax.random.split(key)
    # per-graph features: [n_graphs, d_feat]
    graph_feat = jax.random.normal(k1, (1024, 128), dtype=jnp.float32)
    # node -> graph segment ids, sorted (nodes of each graph are contiguous)
    node_segment = jnp.sort(jax.random.randint(k2, (100000,), 0, 1024, dtype=jnp.int64))
    return {"graph_feat": graph_feat, "node_segment": node_segment}


def reference(graph_feat, node_segment):
    # Broadcast(to='node') with per-'graph' input: output = input[data.nodeSegment()]
    # i.e. a row-gather of graph-level features onto nodes.
    output = jnp.take(graph_feat, node_segment, axis=0)
    return output

if __name__ == "__main__":
    import jax
    _d = setup_inputs()
    print(jax.jit(kernel)(*tuple(_d.values())))

</pallas_src>

<mosaic_0001>
#map = affine_map<(d0, d1) -> (0, 0)>
#map1 = affine_map<(d0, d1) -> (0)>
module attributes {stable_mosaic.version = 14 : i64} {
  func.func @k(%arg0: i32, %arg1: i32, %arg2: memref<1024x128xf32, #tpu.memory_space<hbm>>, %arg3: memref<100000xi32, #tpu.memory_space<hbm>>, %arg4: memref<100000x128xf32, #tpu.memory_space<hbm>>, %arg5: memref<3200xi32, #tpu.memory_space<vmem>>, %arg6: memref<1024x128xf32, #tpu.memory_space<vmem_shared>>, %arg7: memref<128x128xf32, #tpu.memory_space<vmem>>, %arg8: memref<128x128xf32, #tpu.memory_space<vmem>>, %arg9: memref<128x128xf32, #tpu.memory_space<vmem>>, %arg10: memref<128x128xf32, #tpu.memory_space<vmem>>, %arg11: memref<128x128xf32, #tpu.memory_space<vmem>>, %arg12: memref<128x128xf32, #tpu.memory_space<vmem>>, %arg13: memref<128x128xf32, #tpu.memory_space<vmem>>, %arg14: memref<!tpu.dma_semaphore, #tpu.memory_space<semaphore_mem>>, %arg15: memref<!tpu.dma_semaphore, #tpu.memory_space<semaphore_mem>>, %arg16: memref<!tpu.dma_semaphore, #tpu.memory_space<semaphore_mem>>, %arg17: memref<!tpu.dma_semaphore, #tpu.memory_space<semaphore_mem>>, %arg18: memref<!tpu.dma_semaphore, #tpu.memory_space<semaphore_mem>>, %arg19: memref<!tpu.dma_semaphore, #tpu.memory_space<semaphore_mem>>, %arg20: memref<!tpu.dma_semaphore, #tpu.memory_space<semaphore_mem>>, %arg21: memref<!tpu.dma_semaphore, #tpu.memory_space<semaphore_mem>>, %arg22: memref<!tpu.dma_semaphore, #tpu.memory_space<semaphore_mem>>, %arg23: memref<!tpu.dma_semaphore, #tpu.memory_space<semaphore_mem>>, %arg24: memref<!tpu.dma_semaphore, #tpu.memory_space<semaphore_mem>>, %arg25: memref<!tpu.dma_semaphore, #tpu.memory_space<semaphore_mem>>, %arg26: memref<!tpu.dma_semaphore, #tpu.memory_space<semaphore_mem>>, %arg27: memref<!tpu.dma_semaphore, #tpu.memory_space<semaphore_mem>>) attributes {dimension_semantics = [#tpu.dimension_semantics<core_parallel>, #tpu.dimension_semantics<subcore_parallel>], iteration_bounds = array<i64: 2, 16>, scalar_prefetch = 0 : i64, scratch_operands = 23 : i64, tpu.core_type = #tpu.core_type<sc_vector_subcore>, window_params = [{transform_indices = #map}, {transform_indices = #map1}, {transform_indices = #map}]} {
    %mul3A = arith.constant 2 : i32
    %mul3A_0 = arith.muli %arg1, %mul3A : i32
    %add3A = arith.addi %mul3A_0, %arg0 : i32
    %mul3A_1 = arith.constant 24 : i32
    %mul3A_2 = arith.muli %mul3A_1, %add3A : i32
    %min3A = arith.constant 14 : i32
    %min3A_3 = arith.minsi %add3A, %min3A : i32
    %add3A_4 = arith.addi %mul3A_2, %min3A_3 : i32
    %lt3A = arith.constant 14 : i32
    %lt3A_5 = arith.cmpi slt, %add3A, %lt3A : i32
    %jit3A = arith.constant 24 : i32
    %jit3A_6 = arith.constant 23 : i32
    %select_n3A = arith.select %lt3A_5, %jit3A, %jit3A_6 : i32
    %eq3A = arith.constant 31 : i32
    %eq3A_7 = arith.cmpi eq, %add3A, %eq3A : i32
    %mul3A_8 = arith.constant 128 : i32
    %mul3A_9 = arith.muli %add3A_4, %mul3A_8 : i32
    %jit3A_10 = arith.constant 96800 : i32
    %select_n3A_11 = arith.select %eq3A_7, %jit3A_10, %mul3A_9 : i32
    %multiple_of3A = tpu.assume_multiple %select_n3A_11, 8 : i32
    %mul3A_12 = arith.constant 64 : i32
    %mul3A_13 = arith.muli %arg1, %mul3A_12 : i32
    %mul3A_14 = arith.constant 64 : i32
    %mul3A_15 = arith.muli %arg1, %mul3A_14 : i32
    "tpu.region"() ({
      %run_scoped3A = tpu.sem_alloc : memref<!tpu.dma_semaphore, #tpu.memory_space<semaphore_mem>>
      %dma_start3A_678 = arith.constant 0 : i32
      %dma_start3A_679 = tpu.memref_slice %arg6[%mul3A_15, %dma_start3A_678] : memref<1024x128xf32, #tpu.memory_space<vmem_shared>> -> memref<64x128xf32, #tpu.memory_space<vmem_shared>>
      %dma_start3A_680 = arith.constant 0 : i32
      %dma_start3A_681 = tpu.memref_slice %arg2[%mul3A_13, %dma_start3A_680] : memref<1024x128xf32, #tpu.memory_space<hbm>> -> memref<64x128xf32, #tpu.memory_space<hbm>>
      tpu.enqueue_dma source(%dma_start3A_681 : memref<64x128xf32, #tpu.memory_space<hbm>>) target(%dma_start3A_679 : memref<64x128xf32, #tpu.memory_space<vmem_shared>>) target_semaphore(%run_scoped3A : memref<!tpu.dma_semaphore, #tpu.memory_space<semaphore_mem>>)
      %dma_wait3A_682 = arith.constant 0 : i32
      %dma_wait3A_683 = tpu.memref_slice %arg6[%mul3A_15, %dma_wait3A_682] : memref<1024x128xf32, #tpu.memory_space<vmem_shared>> -> memref<64x128xf32, #tpu.memory_space<vmem_shared>>
      %dma_wait3A_684 = arith.constant 0 : i32
      %dma_wait3A_685 = tpu.memref_slice %arg2[%mul3A_13, %dma_wait3A_684] : memref<1024x128xf32, #tpu.memory_space<hbm>> -> memref<64x128xf32, #tpu.memory_space<hbm>>
      tpu.wait_dma2 semaphore(%run_scoped3A : memref<!tpu.dma_semaphore, #tpu.memory_space<semaphore_mem>>) src(%dma_wait3A_685 : memref<64x128xf32, #tpu.memory_space<hbm>>) dst(%dma_wait3A_683 : memref<64x128xf32, #tpu.memory_space<vmem_shared>>)
      tpu.yield
    }) : () -> ()
    "tpu.region"() ({
      %run_scoped3A = tpu.sem_alloc : memref<!tpu.dma_semaphore, #tpu.memory_space<semaphore_mem>>
      %dma_start3A_678 = tpu.memref_slice %arg3[%multiple_of3A] : memref<100000xi32, #tpu.memory_space<hbm>> -> memref<3200xi32, #tpu.memory_space<hbm>>
      %dma_start3A_679 = tpu.memref_slice %arg3[%multiple_of3A] : memref<100000xi32, #tpu.memory_space<hbm>> -> memref<3200xi32, #tpu.memory_space<hbm>>
      tpu.enqueue_dma source(%dma_start3A_679 : memref<3200xi32, #tpu.memory_space<hbm>>) target(%arg5 : memref<3200xi32, #tpu.memory_space<vmem>>) target_semaphore(%run_scoped3A : memref<!tpu.dma_semaphore, #tpu.memory_space<semaphore_mem>>)
      %dma_wait3A_680 = tpu.memref_slice %arg3[%multiple_of3A] : memref<100000xi32, #tpu.memory_space<hbm>> -> memref<3200xi32, #tpu.memory_space<hbm>>
      %dma_wait3A_681 = tpu.memref_slice %arg3[%multiple_of3A] : memref<100000xi32, #tpu.memory_space<hbm>> -> memref<3200xi32, #tpu.memory_space<hbm>>
      tpu.wait_dma2 semaphore(%run_scoped3A : memref<!tpu.dma_semaphore, #tpu.memory_space<semaphore_mem>>) src(%dma_wait3A_681 : memref<3200xi32, #tpu.memory_space<hbm>>) dst(%arg5 : memref<3200xi32, #tpu.memory_space<vmem>>)
      tpu.yield
    }) : () -> ()
    %barrier3A = arith.constant 0 : index
    tpu.barrier barrier_id(%barrier3A)
    %min3A_16 = arith.constant 0 : i32
    %min3A_17 = arith.minsi %min3A_16, %select_n3A : i32
    %add3A_18 = arith.addi %add3A_4, %min3A_17 : i32
    %eq3A_19 = arith.constant 781 : i32
    %eq3A_20 = arith.cmpi eq, %add3A_18, %eq3A_19 : i32
    %mul3A_21 = arith.constant 128 : i32
    %mul3A_22 = arith.muli %add3A_18, %mul3A_21 : i32
    %jit3A_23 = arith.constant 99872 : i32
    %select_n3A_24 = arith.select %eq3A_20, %jit3A_23, %mul3A_22 : i32
    %multiple_of3A_25 = tpu.assume_multiple %select_n3A_24, 8 : i32
    %sub3A = arith.subi %multiple_of3A_25, %multiple_of3A : i32
    %multiple_of3A_26 = tpu.assume_multiple %sub3A, 8 : i32
    %dma_start3A = tpu.memref_slice %arg5[%multiple_of3A_26] : memref<3200xi32, #tpu.memory_space<vmem>> -> memref<128xi32, #tpu.memory_space<vmem>>
    %dma_start3A_27 = arith.constant 0 : i32
    %dma_start3A_28 = arith.constant 0 : i32
    %dma_start3A_29 = tpu.memref_slice %arg6[%dma_start3A_27, %dma_start3A_28] : memref<1024x128xf32, #tpu.memory_space<vmem_shared>> -> memref<1024x128xf32, #tpu.memory_space<vmem_shared>>
    tpu.enqueue_indirect_dma source(%dma_start3A_29 : memref<1024x128xf32, #tpu.memory_space<vmem_shared>>) target(%arg7 : memref<128x128xf32, #tpu.memory_space<vmem>>) offsets(%dma_start3A : memref<128xi32, #tpu.memory_space<vmem>>) semaphore(%arg14 : memref<!tpu.dma_semaphore, #tpu.memory_space<semaphore_mem>>)
    %min3A_30 = arith.constant 1 : i32
    %min3A_31 = arith.minsi %min3A_30, %select_n3A : i32
    %add3A_32 = arith.addi %add3A_4, %min3A_31 : i32
    %eq3A_33 = arith.constant 781 : i32
    %eq3A_34 = arith.cmpi eq, %add3A_32, %eq3A_33 : i32
    %mul3A_35 = arith.constant 128 : i32
    %mul3A_36 = arith.muli %add3A_32, %mul3A_35 : i32
    %jit3A_37 = arith.constant 99872 : i32
    %select_n3A_38 = arith.select %eq3A_34, %jit3A_37, %mul3A_36 : i32
    %multiple_of3A_39 = tpu.assume_multiple %select_n3A_38, 8 : i32
    %sub3A_40 = arith.subi %multiple_of3A_39, %multiple_of3A : i32
    %multiple_of3A_41 = tpu.assume_multiple %sub3A_40, 8 : i32
    %dma_start3A_42 = tpu.memref_slice %arg5[%multiple_of3A_41] : memref<3200xi32, #tpu.memory_space<vmem>> -> memref<128xi32, #tpu.memory_space<vmem>>
    %dma_start3A_43 = arith.constant 0 : i32
    %dma_start3A_44 = arith.constant 0 : i32
    %dma_start3A_45 = tpu.memref_slice %arg6[%dma_start3A_43, %dma_start3A_44] : memref<1024x128xf32, #tpu.memory_space<vmem_shared>> -> memref<1024x128xf32, #tpu.memory_space<vmem_shared>>
    tpu.enqueue_indirect_dma source(%dma_start3A_45 : memref<1024x128xf32, #tpu.memory_space<vmem_shared>>) target(%arg8 : memref<128x128xf32, #tpu.memory_space<vmem>>) offsets(%dma_start3A_42 : memref<128xi32, #tpu.memory_space<vmem>>) semaphore(%arg15 : memref<!tpu.dma_semaphore, #tpu.memory_space<semaphore_mem>>)
    %min3A_46 = arith.constant 2 : i32
    %min3A_47 = arith.minsi %min3A_46, %select_n3A : i32
    %add3A_48 = arith.addi %add3A_4, %min3A_47 : i32
    %eq3A_49 = arith.constant 781 : i32
    %eq3A_50 = arith.cmpi eq, %add3A_48, %eq3A_49 : i32
    %mul3A_51 = arith.constant 128 : i32
    %mul3A_52 = arith.muli %add3A_48, %mul3A_51 : i32
    %jit3A_53 = arith.constant 99872 : i32
    %select_n3A_54 = arith.select %eq3A_50, %jit3A_53, %mul3A_52 : i32
    %multiple_of3A_55 = tpu.assume_multiple %select_n3A_54, 8 : i32
    %sub3A_56 = arith.subi %multiple_of3A_55, %multiple_of3A : i32
    %multiple_of3A_57 = tpu.assume_multiple %sub3A_56, 8 : i32
    %dma_start3A_58 = tpu.memref_slice %arg5[%multiple_of3A_57] : memref<3200xi32, #tpu.memory_space<vmem>> -> memref<128xi32, #tpu.memory_space<vmem>>
    %dma_start3A_59 = arith.constant 0 : i32
    %dma_start3A_60 = arith.constant 0 : i32
    %dma_start3A_61 = tpu.memref_slice %arg6[%dma_start3A_59, %dma_start3A_60] : memref<1024x128xf32, #tpu.memory_space<vmem_shared>> -> memref<1024x128xf32, #tpu.memory_space<vmem_shared>>
    tpu.enqueue_indirect_dma source(%dma_start3A_61 : memref<1024x128xf32, #tpu.memory_space<vmem_shared>>) target(%arg9 : memref<128x128xf32, #tpu.memory_space<vmem>>) offsets(%dma_start3A_58 : memref<128xi32, #tpu.memory_space<vmem>>) semaphore(%arg16 : memref<!tpu.dma_semaphore, #tpu.memory_space<semaphore_mem>>)
    %min3A_62 = arith.constant 0 : i32
    %min3A_63 = arith.minsi %min3A_62, %select_n3A : i32
    %add3A_64 = arith.addi %add3A_4, %min3A_63 : i32
    %eq3A_65 = arith.constant 781 : i32
    %eq3A_66 = arith.cmpi eq, %add3A_64, %eq3A_65 : i32
    %mul3A_67 = arith.constant 128 : i32
    %mul3A_68 = arith.muli %add3A_64, %mul3A_67 : i32
    %jit3A_69 = arith.constant 99872 : i32
    %select_n3A_70 = arith.select %eq3A_66, %jit3A_69, %mul3A_68 : i32
    %multiple_of3A_71 = tpu.assume_multiple %select_n3A_70, 8 : i32
    %sub3A_72 = arith.subi %multiple_of3A_71, %multiple_of3A : i32
    %multiple_of3A_73 = tpu.assume_multiple %sub3A_72, 8 : i32
    %dma_wait3A = tpu.memref_slice %arg5[%multiple_of3A_73] : memref<3200xi32, #tpu.memory_space<vmem>> -> memref<128xi32, #tpu.memory_space<vmem>>
    %dma_wait3A_74 = arith.constant 0 : i32
    %dma_wait3A_75 = arith.constant 0 : i32
    %dma_wait3A_76 = tpu.memref_slice %arg6[%dma_wait3A_74, %dma_wait3A_75] : memref<1024x128xf32, #tpu.memory_space<vmem_shared>> -> memref<1024x128xf32, #tpu.memory_space<vmem_shared>>
    tpu.wait_indirect_dma semaphore(%arg14 : memref<!tpu.dma_semaphore, #tpu.memory_space<semaphore_mem>>) src(%dma_wait3A_76 : memref<1024x128xf32, #tpu.memory_space<vmem_shared>>) dst(%arg7 : memref<128x128xf32, #tpu.memory_space<vmem>>)
    %min3A_77 = arith.constant 0 : i32
    %min3A_78 = arith.minsi %min3A_77, %select_n3A : i32
    %add3A_79 = arith.addi %add3A_4, %min3A_78 : i32
    %eq3A_80 = arith.constant 781 : i32
    %eq3A_81 = arith.cmpi eq, %add3A_79, %eq3A_80 : i32
    %mul3A_82 = arith.constant 128 : i32
    %mul3A_83 = arith.muli %add3A_79, %mul3A_82 : i32
    %jit3A_84 = arith.constant 99872 : i32
    %select_n3A_85 = arith.select %eq3A_81, %jit3A_84, %mul3A_83 : i32
    %multiple_of3A_86 = tpu.assume_multiple %select_n3A_85, 8 : i32
    %dma_start3A_87 = arith.constant 0 : i32
    %dma_start3A_88 = tpu.memref_slice %arg4[%multiple_of3A_86, %dma_start3A_87] : memref<100000x128xf32, #tpu.memory_space<hbm>> -> memref<128x128xf32, #tpu.memory_space<hbm>>
    %dma_start3A_89 = arith.constant 0 : i32
    %dma_start3A_90 = tpu.memref_slice %arg4[%multiple_of3A_86, %dma_start3A_89] : memref<100000x128xf32, #tpu.memory_space<hbm>> -> memref<128x128xf32, #tpu.memory_space<hbm>>
    tpu.enqueue_dma source(%arg7 : memref<128x128xf32, #tpu.memory_space<vmem>>) target(%dma_start3A_90 : memref<128x128xf32, #tpu.memory_space<hbm>>) target_semaphore(%arg21 : memref<!tpu.dma_semaphore, #tpu.memory_space<semaphore_mem>>)
    %min3A_91 = arith.constant 3 : i32
    %min3A_92 = arith.minsi %min3A_91, %select_n3A : i32
    %add3A_93 = arith.addi %add3A_4, %min3A_92 : i32
    %eq3A_94 = arith.constant 781 : i32
    %eq3A_95 = arith.cmpi eq, %add3A_93, %eq3A_94 : i32
    %mul3A_96 = arith.constant 128 : i32
    %mul3A_97 = arith.muli %add3A_93, %mul3A_96 : i32
    %jit3A_98 = arith.constant 99872 : i32
    %select_n3A_99 = arith.select %eq3A_95, %jit3A_98, %mul3A_97 : i32
    %multiple_of3A_100 = tpu.assume_multiple %select_n3A_99, 8 : i32
    %sub3A_101 = arith.subi %multiple_of3A_100, %multiple_of3A : i32
    %multiple_of3A_102 = tpu.assume_multiple %sub3A_101, 8 : i32
    %dma_start3A_103 = tpu.memref_slice %arg5[%multiple_of3A_102] : memref<3200xi32, #tpu.memory_space<vmem>> -> memref<128xi32, #tpu.memory_space<vmem>>
    %dma_start3A_104 = arith.constant 0 : i32
    %dma_start3A_105 = arith.constant 0 : i32
    %dma_start3A_106 = tpu.memref_slice %arg6[%dma_start3A_104, %dma_start3A_105] : memref<1024x128xf32, #tpu.memory_space<vmem_shared>> -> memref<1024x128xf32, #tpu.memory_space<vmem_shared>>
    tpu.enqueue_indirect_dma source(%dma_start3A_106 : memref<1024x128xf32, #tpu.memory_space<vmem_shared>>) target(%arg10 : memref<128x128xf32, #tpu.memory_space<vmem>>) offsets(%dma_start3A_103 : memref<128xi32, #tpu.memory_space<vmem>>) semaphore(%arg17 : memref<!tpu.dma_semaphore, #tpu.memory_space<semaphore_mem>>)
    %min3A_107 = arith.constant 1 : i32
    %min3A_108 = arith.minsi %min3A_107, %select_n3A : i32
    %add3A_109 = arith.addi %add3A_4, %min3A_108 : i32
    %eq3A_110 = arith.constant 781 : i32
    %eq3A_111 = arith.cmpi eq, %add3A_109, %eq3A_110 : i32
    %mul3A_112 = arith.constant 128 : i32
    %mul3A_113 = arith.muli %add3A_109, %mul3A_112 : i32
    %jit3A_114 = arith.constant 99872 : i32
    %select_n3A_115 = arith.select %eq3A_111, %jit3A_114, %mul3A_113 : i32
    %multiple_of3A_116 = tpu.assume_multiple %select_n3A_115, 8 : i32
    %sub3A_117 = arith.subi %multiple_of3A_116, %multiple_of3A : i32
    %multiple_of3A_118 = tpu.assume_multiple %sub3A_117, 8 : i32
    %dma_wait3A_119 = tpu.memref_slice %arg5[%multiple_of3A_118] : memref<3200xi32, #tpu.memory_space<vmem>> -> memref<128xi32, #tpu.memory_space<vmem>>
    %dma_wait3A_120 = arith.constant 0 : i32
    %dma_wait3A_121 = arith.constant 0 : i32
    %dma_wait3A_122 = tpu.memref_slice %arg6[%dma_wait3A_120, %dma_wait3A_121] : memref<1024x128xf32, #tpu.memory_space<vmem_shared>> -> memref<1024x128xf32, #tpu.memory_space<vmem_shared>>
    tpu.wait_indirect_dma semaphore(%arg15 : memref<!tpu.dma_semaphore, #tpu.memory_space<semaphore_mem>>) src(%dma_wait3A_122 : memref<1024x128xf32, #tpu.memory_space<vmem_shared>>) dst(%arg8 : memref<128x128xf32, #tpu.memory_space<vmem>>)
    %min3A_123 = arith.constant 1 : i32
    %min3A_124 = arith.minsi %min3A_123, %select_n3A : i32
    %add3A_125 = arith.addi %add3A_4, %min3A_124 : i32
    %eq3A_126 = arith.constant 781 : i32
    %eq3A_127 = arith.cmpi eq, %add3A_125, %eq3A_126 : i32
    %mul3A_128 = arith.constant 128 : i32
    %mul3A_129 = arith.muli %add3A_125, %mul3A_128 : i32
    %jit3A_130 = arith.constant 99872 : i32
    %select_n3A_131 = arith.select %eq3A_127, %jit3A_130, %mul3A_129 : i32
    %multiple_of3A_132 = tpu.assume_multiple %select_n3A_131, 8 : i32
    %dma_start3A_133 = arith.constant 0 : i32
    %dma_start3A_134 = tpu.memref_slice %arg4[%multiple_of3A_132, %dma_start3A_133] : memref<100000x128xf32, #tpu.memory_space<hbm>> -> memref<128x128xf32, #tpu.memory_space<hbm>>
    %dma_start3A_135 = arith.constant 0 : i32
    %dma_start3A_136 = tpu.memref_slice %arg4[%multiple_of3A_132, %dma_start3A_135] : memref<100000x128xf32, #tpu.memory_space<hbm>> -> memref<128x128xf32, #tpu.memory_space<hbm>>
    tpu.enqueue_dma source(%arg8 : memref<128x128xf32, #tpu.memory_space<vmem>>) target(%dma_start3A_136 : memref<128x128xf32, #tpu.memory_space<hbm>>) target_semaphore(%arg22 : memref<!tpu.dma_semaphore, #tpu.memory_space<semaphore_mem>>)
    %min3A_137 = arith.constant 4 : i32
    %min3A_138 = arith.minsi %min3A_137, %select_n3A : i32
    %add3A_139 = arith.addi %add3A_4, %min3A_138 : i32
    %eq3A_140 = arith.constant 781 : i32
    %eq3A_141 = arith.cmpi eq, %add3A_139, %eq3A_140 : i32
    %mul3A_142 = arith.constant 128 : i32
    %mul3A_143 = arith.muli %add3A_139, %mul3A_142 : i32
    %jit3A_144 = arith.constant 99872 : i32
    %select_n3A_145 = arith.select %eq3A_141, %jit3A_144, %mul3A_143 : i32
    %multiple_of3A_146 = tpu.assume_multiple %select_n3A_145, 8 : i32
    %sub3A_147 = arith.subi %multiple_of3A_146, %multiple_of3A : i32
    %multiple_of3A_148 = tpu.assume_multiple %sub3A_147, 8 : i32
    %dma_start3A_149 = tpu.memref_slice %arg5[%multiple_of3A_148] : memref<3200xi32, #tpu.memory_space<vmem>> -> memref<128xi32, #tpu.memory_space<vmem>>
    %dma_start3A_150 = arith.constant 0 : i32
    %dma_start3A_151 = arith.constant 0 : i32
    %dma_start3A_152 = tpu.memref_slice %arg6[%dma_start3A_150, %dma_start3A_151] : memref<1024x128xf32, #tpu.memory_space<vmem_shared>> -> memref<1024x128xf32, #tpu.memory_space<vmem_shared>>
    tpu.enqueue_indirect_dma source(%dma_start3A_152 : memref<1024x128xf32, #tpu.memory_space<vmem_shared>>) target(%arg11 : memref<128x128xf32, #tpu.memory_space<vmem>>) offsets(%dma_start3A_149 : memref<128xi32, #tpu.memory_space<vmem>>) semaphore(%arg18 : memref<!tpu.dma_semaphore, #tpu.memory_space<semaphore_mem>>)
    %min3A_153 = arith.constant 2 : i32
    %min3A_154 = arith.minsi %min3A_153, %select_n3A : i32
    %add3A_155 = arith.addi %add3A_4, %min3A_154 : i32
    %eq3A_156 = arith.constant 781 : i32
    %eq3A_157 = arith.cmpi eq, %add3A_155, %eq3A_156 : i32
    %mul3A_158 = arith.constant 128 : i32
    %mul3A_159 = arith.muli %add3A_155, %mul3A_158 : i32
    %jit3A_160 = arith.constant 99872 : i32
    %select_n3A_161 = arith.select %eq3A_157, %jit3A_160, %mul3A_159 : i32
    %multiple_of3A_162 = tpu.assume_multiple %select_n3A_161, 8 : i32
    %sub3A_163 = arith.subi %multiple_of3A_162, %multiple_of3A : i32
    %multiple_of3A_164 = tpu.assume_multiple %sub3A_163, 8 : i32
    %dma_wait3A_165 = tpu.memref_slice %arg5[%multiple_of3A_164] : memref<3200xi32, #tpu.memory_space<vmem>> -> memref<128xi32, #tpu.memory_space<vmem>>
    %dma_wait3A_166 = arith.constant 0 : i32
    %dma_wait3A_167 = arith.constant 0 : i32
    %dma_wait3A_168 = tpu.memref_slice %arg6[%dma_wait3A_166, %dma_wait3A_167] : memref<1024x128xf32, #tpu.memory_space<vmem_shared>> -> memref<1024x128xf32, #tpu.memory_space<vmem_shared>>
    tpu.wait_indirect_dma semaphore(%arg16 : memref<!tpu.dma_semaphore, #tpu.memory_space<semaphore_mem>>) src(%dma_wait3A_168 : memref<1024x128xf32, #tpu.memory_space<vmem_shared>>) dst(%arg9 : memref<128x128xf32, #tpu.memory_space<vmem>>)
    %min3A_169 = arith.constant 2 : i32
    %min3A_170 = arith.minsi %min3A_169, %select_n3A : i32
    %add3A_171 = arith.addi %add3A_4, %min3A_170 : i32
    %eq3A_172 = arith.constant 781 : i32
    %eq3A_173 = arith.cmpi eq, %add3A_171, %eq3A_172 : i32
    %mul3A_174 = arith.constant 128 : i32
    %mul3A_175 = arith.muli %add3A_171, %mul3A_174 : i32
    %jit3A_176 = arith.constant 99872 : i32
    %select_n3A_177 = arith.select %eq3A_173, %jit3A_176, %mul3A_175 : i32
    %multiple_of3A_178 = tpu.assume_multiple %select_n3A_177, 8 : i32
    %dma_start3A_179 = arith.constant 0 : i32
    %dma_start3A_180 = tpu.memref_slice %arg4[%multiple_of3A_178, %dma_start3A_179] : memref<100000x128xf32, #tpu.memory_space<hbm>> -> memref<128x128xf32, #tpu.memory_space<hbm>>
    %dma_start3A_181 = arith.constant 0 : i32
    %dma_start3A_182 = tpu.memref_slice %arg4[%multiple_of3A_178, %dma_start3A_181] : memref<100000x128xf32, #tpu.memory_space<hbm>> -> memref<128x128xf32, #tpu.memory_space<hbm>>
    tpu.enqueue_dma source(%arg9 : memref<128x128xf32, #tpu.memory_space<vmem>>) target(%dma_start3A_182 : memref<128x128xf32, #tpu.memory_space<hbm>>) target_semaphore(%arg23 : memref<!tpu.dma_semaphore, #tpu.memory_space<semaphore_mem>>)
    %min3A_183 = arith.constant 5 : i32
    %min3A_184 = arith.minsi %min3A_183, %select_n3A : i32
    %add3A_185 = arith.addi %add3A_4, %min3A_184 : i32
    %eq3A_186 = arith.constant 781 : i32
    %eq3A_187 = arith.cmpi eq, %add3A_185, %eq3A_186 : i32
    %mul3A_188 = arith.constant 128 : i32
    %mul3A_189 = arith.muli %add3A_185, %mul3A_188 : i32
    %jit3A_190 = arith.constant 99872 : i32
    %select_n3A_191 = arith.select %eq3A_187, %jit3A_190, %mul3A_189 : i32
    %multiple_of3A_192 = tpu.assume_multiple %select_n3A_191, 8 : i32
    %sub3A_193 = arith.subi %multiple_of3A_192, %multiple_of3A : i32
    %multiple_of3A_194 = tpu.assume_multiple %sub3A_193, 8 : i32
    %dma_start3A_195 = tpu.memref_slice %arg5[%multiple_of3A_194] : memref<3200xi32, #tpu.memory_space<vmem>> -> memref<128xi32, #tpu.memory_space<vmem>>
    %dma_start3A_196 = arith.constant 0 : i32
    %dma_start3A_197 = arith.constant 0 : i32
    %dma_start3A_198 = tpu.memref_slice %arg6[%dma_start3A_196, %dma_start3A_197] : memref<1024x128xf32, #tpu.memory_space<vmem_shared>> -> memref<1024x128xf32, #tpu.memory_space<vmem_shared>>
    tpu.enqueue_indirect_dma source(%dma_start3A_198 : memref<1024x128xf32, #tpu.memory_space<vmem_shared>>) target(%arg12 : memref<128x128xf32, #tpu.memory_space<vmem>>) offsets(%dma_start3A_195 : memref<128xi32, #tpu.memory_space<vmem>>) semaphore(%arg19 : memref<!tpu.dma_semaphore, #tpu.memory_space<semaphore_mem>>)
    %min3A_199 = arith.constant 3 : i32
    %min3A_200 = arith.minsi %min3A_199, %select_n3A : i32
    %add3A_201 = arith.addi %add3A_4, %min3A_200 : i32
    %eq3A_202 = arith.constant 781 : i32
    %eq3A_203 = arith.cmpi eq, %add3A_201, %eq3A_202 : i32
    %mul3A_204 = arith.constant 128 : i32
    %mul3A_205 = arith.muli %add3A_201, %mul3A_204 : i32
    %jit3A_206 = arith.constant 99872 : i32
    %select_n3A_207 = arith.select %eq3A_203, %jit3A_206, %mul3A_205 : i32
    %multiple_of3A_208 = tpu.assume_multiple %select_n3A_207, 8 : i32
    %sub3A_209 = arith.subi %multiple_of3A_208, %multiple_of3A : i32
    %multiple_of3A_210 = tpu.assume_multiple %sub3A_209, 8 : i32
    %dma_wait3A_211 = tpu.memref_slice %arg5[%multiple_of3A_210] : memref<3200xi32, #tpu.memory_space<vmem>> -> memref<128xi32, #tpu.memory_space<vmem>>
    %dma_wait3A_212 = arith.constant 0 : i32
    %dma_wait3A_213 = arith.constant 0 : i32
    %dma_wait3A_214 = tpu.memref_slice %arg6[%dma_wait3A_212, %dma_wait3A_213] : memref<1024x128xf32, #tpu.memory_space<vmem_shared>> -> memref<1024x128xf32, #tpu.memory_space<vmem_shared>>
    tpu.wait_indirect_dma semaphore(%arg17 : memref<!tpu.dma_semaphore, #tpu.memory_space<semaphore_mem>>) src(%dma_wait3A_214 : memref<1024x128xf32, #tpu.memory_space<vmem_shared>>) dst(%arg10 : memref<128x128xf32, #tpu.memory_space<vmem>>)
    %min3A_215 = arith.constant 3 : i32
    %min3A_216 = arith.minsi %min3A_215, %select_n3A : i32
    %add3A_217 = arith.addi %add3A_4, %min3A_216 : i32
    %eq3A_218 = arith.constant 781 : i32
    %eq3A_219 = arith.cmpi eq, %add3A_217, %eq3A_218 : i32
    %mul3A_220 = arith.constant 128 : i32
    %mul3A_221 = arith.muli %add3A_217, %mul3A_220 : i32
    %jit3A_222 = arith.constant 99872 : i32
    %select_n3A_223 = arith.select %eq3A_219, %jit3A_222, %mul3A_221 : i32
    %multiple_of3A_224 = tpu.assume_multiple %select_n3A_223, 8 : i32
    %dma_start3A_225 = arith.constant 0 : i32
    %dma_start3A_226 = tpu.memref_slice %arg4[%multiple_of3A_224, %dma_start3A_225] : memref<100000x128xf32, #tpu.memory_space<hbm>> -> memref<128x128xf32, #tpu.memory_space<hbm>>
    %dma_start3A_227 = arith.constant 0 : i32
    %dma_start3A_228 = tpu.memref_slice %arg4[%multiple_of3A_224, %dma_start3A_227] : memref<100000x128xf32, #tpu.memory_space<hbm>> -> memref<128x128xf32, #tpu.memory_space<hbm>>
    tpu.enqueue_dma source(%arg10 : memref<128x128xf32, #tpu.memory_space<vmem>>) target(%dma_start3A_228 : memref<128x128xf32, #tpu.memory_space<hbm>>) target_semaphore(%arg24 : memref<!tpu.dma_semaphore, #tpu.memory_space<semaphore_mem>>)
    %min3A_229 = arith.constant 6 : i32
    %min3A_230 = arith.minsi %min3A_229, %select_n3A : i32
    %add3A_231 = arith.addi %add3A_4, %min3A_230 : i32
    %eq3A_232 = arith.constant 781 : i32
    %eq3A_233 = arith.cmpi eq, %add3A_231, %eq3A_232 : i32
    %mul3A_234 = arith.constant 128 : i32
    %mul3A_235 = arith.muli %add3A_231, %mul3A_234 : i32
    %jit3A_236 = arith.constant 99872 : i32
    %select_n3A_237 = arith.select %eq3A_233, %jit3A_236, %mul3A_235 : i32
    %multiple_of3A_238 = tpu.assume_multiple %select_n3A_237, 8 : i32
    %sub3A_239 = arith.subi %multiple_of3A_238, %multiple_of3A : i32
    %multiple_of3A_240 = tpu.assume_multiple %sub3A_239, 8 : i32
    %dma_start3A_241 = tpu.memref_slice %arg5[%multiple_of3A_240] : memref<3200xi32, #tpu.memory_space<vmem>> -> memref<128xi32, #tpu.memory_space<vmem>>
    %dma_start3A_242 = arith.constant 0 : i32
    %dma_start3A_243 = arith.constant 0 : i32
    %dma_start3A_244 = tpu.memref_slice %arg6[%dma_start3A_242, %dma_start3A_243] : memref<1024x128xf32, #tpu.memory_space<vmem_shared>> -> memref<1024x128xf32, #tpu.memory_space<vmem_shared>>
    tpu.enqueue_indirect_dma source(%dma_start3A_244 : memref<1024x128xf32, #tpu.memory_space<vmem_shared>>) target(%arg13 : memref<128x128xf32, #tpu.memory_space<vmem>>) offsets(%dma_start3A_241 : memref<128xi32, #tpu.memory_space<vmem>>) semaphore(%arg20 : memref<!tpu.dma_semaphore, #tpu.memory_space<semaphore_mem>>)
    %min3A_245 = arith.constant 4 : i32
    %min3A_246 = arith.minsi %min3A_245, %select_n3A : i32
    %add3A_247 = arith.addi %add3A_4, %min3A_246 : i32
    %eq3A_248 = arith.constant 781 : i32
    %eq3A_249 = arith.cmpi eq, %add3A_247, %eq3A_248 : i32
    %mul3A_250 = arith.constant 128 : i32
    %mul3A_251 = arith.muli %add3A_247, %mul3A_250 : i32
    %jit3A_252 = arith.constant 99872 : i32
    %select_n3A_253 = arith.select %eq3A_249, %jit3A_252, %mul3A_251 : i32
    %multiple_of3A_254 = tpu.assume_multiple %select_n3A_253, 8 : i32
    %sub3A_255 = arith.subi %multiple_of3A_254, %multiple_of3A : i32
    %multiple_of3A_256 = tpu.assume_multiple %sub3A_255, 8 : i32
    %dma_wait3A_257 = tpu.memref_slice %arg5[%multiple_of3A_256] : memref<3200xi32, #tpu.memory_space<vmem>> -> memref<128xi32, #tpu.memory_space<vmem>>
    %dma_wait3A_258 = arith.constant 0 : i32
    %dma_wait3A_259 = arith.constant 0 : i32
    %dma_wait3A_260 = tpu.memref_slice %arg6[%dma_wait3A_258, %dma_wait3A_259] : memref<1024x128xf32, #tpu.memory_space<vmem_shared>> -> memref<1024x128xf32, #tpu.memory_space<vmem_shared>>
    tpu.wait_indirect_dma semaphore(%arg18 : memref<!tpu.dma_semaphore, #tpu.memory_space<semaphore_mem>>) src(%dma_wait3A_260 : memref<1024x128xf32, #tpu.memory_space<vmem_shared>>) dst(%arg11 : memref<128x128xf32, #tpu.memory_space<vmem>>)
    %min3A_261 = arith.constant 4 : i32
    %min3A_262 = arith.minsi %min3A_261, %select_n3A : i32
    %add3A_263 = arith.addi %add3A_4, %min3A_262 : i32
    %eq3A_264 = arith.constant 781 : i32
    %eq3A_265 = arith.cmpi eq, %add3A_263, %eq3A_264 : i32
    %mul3A_266 = arith.constant 128 : i32
    %mul3A_267 = arith.muli %add3A_263, %mul3A_266 : i32
    %jit3A_268 = arith.constant 99872 : i32
    %select_n3A_269 = arith.select %eq3A_265, %jit3A_268, %mul3A_267 : i32
    %multiple_of3A_270 = tpu.assume_multiple %select_n3A_269, 8 : i32
    %dma_start3A_271 = arith.constant 0 : i32
    %dma_start3A_272 = tpu.memref_slice %arg4[%multiple_of3A_270, %dma_start3A_271] : memref<100000x128xf32, #tpu.memory_space<hbm>> -> memref<128x128xf32, #tpu.memory_space<hbm>>
    %dma_start3A_273 = arith.constant 0 : i32
    %dma_start3A_274 = tpu.memref_slice %arg4[%multiple_of3A_270, %dma_start3A_273] : memref<100000x128xf32, #tpu.memory_space<hbm>> -> memref<128x128xf32, #tpu.memory_space<hbm>>
    tpu.enqueue_dma source(%arg11 : memref<128x128xf32, #tpu.memory_space<vmem>>) target(%dma_start3A_274 : memref<128x128xf32, #tpu.memory_space<hbm>>) target_semaphore(%arg25 : memref<!tpu.dma_semaphore, #tpu.memory_space<semaphore_mem>>)
    %scan3A = arith.constant 0 : i32
    %scan3A_275 = arith.constant 0 : i32
    %scan3A_276 = arith.constant 2 : i32
    %scan3A_277 = arith.addi %scan3A_275, %scan3A_276 : i32
    %scan3A_278 = arith.constant 1 : i32
    scf.for %scan3A_678 = %scan3A_275 to %scan3A_277 step %scan3A_278  : i32 {
      %mul3A_679 = arith.constant 7 : i32
      %mul3A_680 = arith.muli %scan3A_678, %mul3A_679 : i32
      %add3A_681 = arith.constant 5 : i32
      %add3A_682 = arith.addi %add3A_681, %mul3A_680 : i32
      %add3A_683 = arith.constant 0 : i32
      %add3A_684 = arith.addi %add3A_682, %add3A_683 : i32
      %sub3A_685 = arith.constant 7 : i32
      %sub3A_686 = arith.subi %add3A_684, %sub3A_685 : i32
      %add3A_687 = arith.constant 2 : i32
      %add3A_688 = arith.addi %sub3A_686, %add3A_687 : i32
      %min3A_689 = arith.minsi %add3A_688, %select_n3A : i32
      %add3A_690 = arith.addi %add3A_4, %min3A_689 : i32
      %eq3A_691 = arith.constant 781 : i32
      %eq3A_692 = arith.cmpi eq, %add3A_690, %eq3A_691 : i32
      %mul3A_693 = arith.constant 128 : i32
      %mul3A_694 = arith.muli %add3A_690, %mul3A_693 : i32
      %jit3A_695 = arith.constant 99872 : i32
      %select_n3A_696 = arith.select %eq3A_692, %jit3A_695, %mul3A_694 : i32
      %multiple_of3A_697 = tpu.assume_multiple %select_n3A_696, 8 : i32
      %dma_wait3A_698 = arith.constant 0 : i32
      %dma_wait3A_699 = tpu.memref_slice %arg4[%multiple_of3A_697, %dma_wait3A_698] : memref<100000x128xf32, #tpu.memory_space<hbm>> -> memref<128x128xf32, #tpu.memory_space<hbm>>
      %dma_wait3A_700 = arith.constant 0 : i32
      %dma_wait3A_701 = tpu.memref_slice %arg4[%multiple_of3A_697, %dma_wait3A_700] : memref<100000x128xf32, #tpu.memory_space<hbm>> -> memref<128x128xf32, #tpu.memory_space<hbm>>
      tpu.wait_dma2 semaphore(%arg21 : memref<!tpu.dma_semaphore, #tpu.memory_space<semaphore_mem>>) src(%arg7 : memref<128x128xf32, #tpu.memory_space<vmem>>) dst(%dma_wait3A_701 : memref<128x128xf32, #tpu.memory_space<hbm>>)
      %add3A_702 = arith.constant 2 : i32
      %add3A_703 = arith.addi %add3A_684, %add3A_702 : i32
      %min3A_704 = arith.minsi %add3A_703, %select_n3A : i32
      %add3A_705 = arith.addi %add3A_4, %min3A_704 : i32
      %eq3A_706 = arith.constant 781 : i32
      %eq3A_707 = arith.cmpi eq, %add3A_705, %eq3A_706 : i32
      %mul3A_708 = arith.constant 128 : i32
      %mul3A_709 = arith.muli %add3A_705, %mul3A_708 : i32
      %jit3A_710 = arith.constant 99872 : i32
      %select_n3A_711 = arith.select %eq3A_707, %jit3A_710, %mul3A_709 : i32
      %multiple_of3A_712 = tpu.assume_multiple %select_n3A_711, 8 : i32
      %sub3A_713 = arith.subi %multiple_of3A_712, %multiple_of3A : i32
      %multiple_of3A_714 = tpu.assume_multiple %sub3A_713, 8 : i32
      %dma_start3A_715 = tpu.memref_slice %arg5[%multiple_of3A_714] : memref<3200xi32, #tpu.memory_space<vmem>> -> memref<128xi32, #tpu.memory_space<vmem>>
      %dma_start3A_716 = arith.constant 0 : i32
      %dma_start3A_717 = arith.constant 0 : i32
      %dma_start3A_718 = tpu.memref_slice %arg6[%dma_start3A_716, %dma_start3A_717] : memref<1024x128xf32, #tpu.memory_space<vmem_shared>> -> memref<1024x128xf32, #tpu.memory_space<vmem_shared>>
      tpu.enqueue_indirect_dma source(%dma_start3A_718 : memref<1024x128xf32, #tpu.memory_space<vmem_shared>>) target(%arg7 : memref<128x128xf32, #tpu.memory_space<vmem>>) offsets(%dma_start3A_715 : memref<128xi32, #tpu.memory_space<vmem>>) semaphore(%arg14 : memref<!tpu.dma_semaphore, #tpu.memory_space<semaphore_mem>>)
      %min3A_719 = arith.minsi %add3A_684, %select_n3A : i32
      %add3A_720 = arith.addi %add3A_4, %min3A_719 : i32
      %eq3A_721 = arith.constant 781 : i32
      %eq3A_722 = arith.cmpi eq, %add3A_720, %eq3A_721 : i32
      %mul3A_723 = arith.constant 128 : i32
      %mul3A_724 = arith.muli %add3A_720, %mul3A_723 : i32
      %jit3A_725 = arith.constant 99872 : i32
      %select_n3A_726 = arith.select %eq3A_722, %jit3A_725, %mul3A_724 : i32
      %multiple_of3A_727 = tpu.assume_multiple %select_n3A_726, 8 : i32
      %sub3A_728 = arith.subi %multiple_of3A_727, %multiple_of3A : i32
      %multiple_of3A_729 = tpu.assume_multiple %sub3A_728, 8 : i32
      %dma_wait3A_730 = tpu.memref_slice %arg5[%multiple_of3A_729] : memref<3200xi32, #tpu.memory_space<vmem>> -> memref<128xi32, #tpu.memory_space<vmem>>
      %dma_wait3A_731 = arith.constant 0 : i32
      %dma_wait3A_732 = arith.constant 0 : i32
      %dma_wait3A_733 = tpu.memref_slice %arg6[%dma_wait3A_731, %dma_wait3A_732] : memref<1024x128xf32, #tpu.memory_space<vmem_shared>> -> memref<1024x128xf32, #tpu.memory_space<vmem_shared>>
      tpu.wait_indirect_dma semaphore(%arg19 : memref<!tpu.dma_semaphore, #tpu.memory_space<semaphore_mem>>) src(%dma_wait3A_733 : memref<1024x128xf32, #tpu.memory_space<vmem_shared>>) dst(%arg12 : memref<128x128xf32, #tpu.memory_space<vmem>>)
      %min3A_734 = arith.minsi %add3A_684, %select_n3A : i32
      %add3A_735 = arith.addi %add3A_4, %min3A_734 : i32
      %eq3A_736 = arith.constant 781 : i32
      %eq3A_737 = arith.cmpi eq, %add3A_735, %eq3A_736 : i32
      %mul3A_738 = arith.constant 128 : i32
      %mul3A_739 = arith.muli %add3A_735, %mul3A_738 : i32
      %jit3A_740 = arith.constant 99872 : i32
      %select_n3A_741 = arith.select %eq3A_737, %jit3A_740, %mul3A_739 : i32
      %multiple_of3A_742 = tpu.assume_multiple %select_n3A_741, 8 : i32
      %dma_start3A_743 = arith.constant 0 : i32
      %dma_start3A_744 = tpu.memref_slice %arg4[%multiple_of3A_742, %dma_start3A_743] : memref<100000x128xf32, #tpu.memory_space<hbm>> -> memref<128x128xf32, #tpu.memory_space<hbm>>
      %dma_start3A_745 = arith.constant 0 : i32
      %dma_start3A_746 = tpu.memref_slice %arg4[%multiple_of3A_742, %dma_start3A_745] : memref<100000x128xf32, #tpu.memory_space<hbm>> -> memref<128x128xf32, #tpu.memory_space<hbm>>
      tpu.enqueue_dma source(%arg12 : memref<128x128xf32, #tpu.memory_space<vmem>>) target(%dma_start3A_746 : memref<128x128xf32, #tpu.memory_space<hbm>>) target_semaphore(%arg26 : memref<!tpu.dma_semaphore, #tpu.memory_space<semaphore_mem>>)
      %mul3A_747 = arith.constant 7 : i32
      %mul3A_748 = arith.muli %scan3A_678, %mul3A_747 : i32
      %add3A_749 = arith.constant 5 : i32
      %add3A_750 = arith.addi %add3A_749, %mul3A_748 : i32
      %add3A_751 = arith.constant 1 : i32
      %add3A_752 = arith.addi %add3A_750, %add3A_751 : i32
      %sub3A_753 = arith.constant 7 : i32
      %sub3A_754 = arith.subi %add3A_752, %sub3A_753 : i32
      %add3A_755 = arith.constant 2 : i32
      %add3A_756 = arith.addi %sub3A_754, %add3A_755 : i32
      %min3A_757 = arith.minsi %add3A_756, %select_n3A : i32
      %add3A_758 = arith.addi %add3A_4, %min3A_757 : i32
      %eq3A_759 = arith.constant 781 : i32
      %eq3A_760 = arith.cmpi eq, %add3A_758, %eq3A_759 : i32
      %mul3A_761 = arith.constant 128 : i32
      %mul3A_762 = arith.muli %add3A_758, %mul3A_761 : i32
      %jit3A_763 = arith.constant 99872 : i32
      %select_n3A_764 = arith.select %eq3A_760, %jit3A_763, %mul3A_762 : i32
      %multiple_of3A_765 = tpu.assume_multiple %select_n3A_764, 8 : i32
      %dma_wait3A_766 = arith.constant 0 : i32
      %dma_wait3A_767 = tpu.memref_slice %arg4[%multiple_of3A_765, %dma_wait3A_766] : memref<100000x128xf32, #tpu.memory_space<hbm>> -> memref<128x128xf32, #tpu.memory_space<hbm>>
      %dma_wait3A_768 = arith.constant 0 : i32
      %dma_wait3A_769 = tpu.memref_slice %arg4[%multiple_of3A_765, %dma_wait3A_768] : memref<100000x128xf32, #tpu.memory_space<hbm>> -> memref<128x128xf32, #tpu.memory_space<hbm>>
      tpu.wait_dma2 semaphore(%arg22 : memref<!tpu.dma_semaphore, #tpu.memory_space<semaphore_mem>>) src(%arg8 : memref<128x128xf32, #tpu.memory_space<vmem>>) dst(%dma_wait3A_769 : memref<128x128xf32, #tpu.memory_space<hbm>>)
      %add3A_770 = arith.constant 2 : i32
      %add3A_771 = arith.addi %add3A_752, %add3A_770 : i32
      %min3A_772 = arith.minsi %add3A_771, %select_n3A : i32
      %add3A_773 = arith.addi %add3A_4, %min3A_772 : i32
      %eq3A_774 = arith.constant 781 : i32
      %eq3A_775 = arith.cmpi eq, %add3A_773, %eq3A_774 : i32
      %mul3A_776 = arith.constant 128 : i32
      %mul3A_777 = arith.muli %add3A_773, %mul3A_776 : i32
      %jit3A_778 = arith.constant 99872 : i32
      %select_n3A_779 = arith.select %eq3A_775, %jit3A_778, %mul3A_777 : i32
      %multiple_of3A_780 = tpu.assume_multiple %select_n3A_779, 8 : i32
      %sub3A_781 = arith.subi %multiple_of3A_780, %multiple_of3A : i32
      %multiple_of3A_782 = tpu.assume_multiple %sub3A_781, 8 : i32
      %dma_start3A_783 = tpu.memref_slice %arg5[%multiple_of3A_782] : memref<3200xi32, #tpu.memory_space<vmem>> -> memref<128xi32, #tpu.memory_space<vmem>>
      %dma_start3A_784 = arith.constant 0 : i32
      %dma_start3A_785 = arith.constant 0 : i32
      %dma_start3A_786 = tpu.memref_slice %arg6[%dma_start3A_784, %dma_start3A_785] : memref<1024x128xf32, #tpu.memory_space<vmem_shared>> -> memref<1024x128xf32, #tpu.memory_space<vmem_shared>>
      tpu.enqueue_indirect_dma source(%dma_start3A_786 : memref<1024x128xf32, #tpu.memory_space<vmem_shared>>) target(%arg8 : memref<128x128xf32, #tpu.memory_space<vmem>>) offsets(%dma_start3A_783 : memref<128xi32, #tpu.memory_space<vmem>>) semaphore(%arg15 : memref<!tpu.dma_semaphore, #tpu.memory_space<semaphore_mem>>)
      %min3A_787 = arith.minsi %add3A_752, %select_n3A : i32
      %add3A_788 = arith.addi %add3A_4, %min3A_787 : i32
      %eq3A_789 = arith.constant 781 : i32
      %eq3A_790 = arith.cmpi eq, %add3A_788, %eq3A_789 : i32
      %mul3A_791 = arith.constant 128 : i32
      %mul3A_792 = arith.muli %add3A_788, %mul3A_791 : i32
      %jit3A_793 = arith.constant 99872 : i32
      %select_n3A_794 = arith.select %eq3A_790, %jit3A_793, %mul3A_792 : i32
      %multiple_of3A_795 = tpu.assume_multiple %select_n3A_794, 8 : i32
      %sub3A_796 = arith.subi %multiple_of3A_795, %multiple_of3A : i32
      %multiple_of3A_797 = tpu.assume_multiple %sub3A_796, 8 : i32
      %dma_wait3A_798 = tpu.memref_slice %arg5[%multiple_of3A_797] : memref<3200xi32, #tpu.memory_space<vmem>> -> memref<128xi32, #tpu.memory_space<vmem>>
      %dma_wait3A_799 = arith.constant 0 : i32
      %dma_wait3A_800 = arith.constant 0 : i32
      %dma_wait3A_801 = tpu.memref_slice %arg6[%dma_wait3A_799, %dma_wait3A_800] : memref<1024x128xf32, #tpu.memory_space<vmem_shared>> -> memref<1024x128xf32, #tpu.memory_space<vmem_shared>>
      tpu.wait_indirect_dma semaphore(%arg20 : memref<!tpu.dma_semaphore, #tpu.memory_space<semaphore_mem>>) src(%dma_wait3A_801 : memref<1024x128xf32, #tpu.memory_space<vmem_shared>>) dst(%arg13 : memref<128x128xf32, #tpu.memory_space<vmem>>)
      %min3A_802 = arith.minsi %add3A_752, %select_n3A : i32
      %add3A_803 = arith.addi %add3A_4, %min3A_802 : i32
      %eq3A_804 = arith.constant 781 : i32
      %eq3A_805 = arith.cmpi eq, %add3A_803, %eq3A_804 : i32
      %mul3A_806 = arith.constant 128 : i32
      %mul3A_807 = arith.muli %add3A_803, %mul3A_806 : i32
      %jit3A_808 = arith.constant 99872 : i32
      %select_n3A_809 = arith.select %eq3A_805, %jit3A_808, %mul3A_807 : i32
      %multiple_of3A_810 = tpu.assume_multiple %select_n3A_809, 8 : i32
      %dma_start3A_811 = arith.constant 0 : i32
      %dma_start3A_812 = tpu.memref_slice %arg4[%multiple_of3A_810, %dma_start3A_811] : memref<100000x128xf32, #tpu.memory_space<hbm>> -> memref<128x128xf32, #tpu.memory_space<hbm>>
      %dma_start3A_813 = arith.constant 0 : i32
      %dma_start3A_814 = tpu.memref_slice %arg4[%multiple_of3A_810, %dma_start3A_813] : memref<100000x128xf32, #tpu.memory_space<hbm>> -> memref<128x128xf32, #tpu.memory_space<hbm>>
      tpu.enqueue_dma source(%arg13 : memref<128x128xf32, #tpu.memory_space<vmem>>) target(%dma_start3A_814 : memref<128x128xf32, #tpu.memory_space<hbm>>) target_semaphore(%arg27 : memref<!tpu.dma_semaphore, #tpu.memory_space<semaphore_mem>>)
      %mul3A_815 = arith.constant 7 : i32
      %mul3A_816 = arith.muli %scan3A_678, %mul3A_815 : i32
      %add3A_817 = arith.constant 5 : i32
      %add3A_818 = arith.addi %add3A_817, %mul3A_816 : i32
      %add3A_819 = arith.constant 2 : i32
      %add3A_820 = arith.addi %add3A_818, %add3A_819 : i32
      %sub3A_821 = arith.constant 7 : i32
      %sub3A_822 = arith.subi %add3A_820, %sub3A_821 : i32
      %add3A_823 = arith.constant 2 : i32
      %add3A_824 = arith.addi %sub3A_822, %add3A_823 : i32
      %min3A_825 = arith.minsi %add3A_824, %select_n3A : i32
      %add3A_826 = arith.addi %add3A_4, %min3A_825 : i32
      %eq3A_827 = arith.constant 781 : i32
      %eq3A_828 = arith.cmpi eq, %add3A_826, %eq3A_827 : i32
      %mul3A_829 = arith.constant 128 : i32
      %mul3A_830 = arith.muli %add3A_826, %mul3A_829 : i32
      %jit3A_831 = arith.constant 99872 : i32
      %select_n3A_832 = arith.select %eq3A_828, %jit3A_831, %mul3A_830 : i32
      %multiple_of3A_833 = tpu.assume_multiple %select_n3A_832, 8 : i32
      %dma_wait3A_834 = arith.constant 0 : i32
      %dma_wait3A_835 = tpu.memref_slice %arg4[%multiple_of3A_833, %dma_wait3A_834] : memref<100000x128xf32, #tpu.memory_space<hbm>> -> memref<128x128xf32, #tpu.memory_space<hbm>>
      %dma_wait3A_836 = arith.constant 0 : i32
      %dma_wait3A_837 = tpu.memref_slice %arg4[%multiple_of3A_833, %dma_wait3A_836] : memref<100000x128xf32, #tpu.memory_space<hbm>> -> memref<128x128xf32, #tpu.memory_space<hbm>>
      tpu.wait_dma2 semaphore(%arg23 : memref<!tpu.dma_semaphore, #tpu.memory_space<semaphore_mem>>) src(%arg9 : memref<128x128xf32, #tpu.memory_space<vmem>>) dst(%dma_wait3A_837 : memref<128x128xf32, #tpu.memory_space<hbm>>)
      %add3A_838 = arith.constant 2 : i32
      %add3A_839 = arith.addi %add3A_820, %add3A_838 : i32
      %min3A_840 = arith.minsi %add3A_839, %select_n3A : i32
      %add3A_841 = arith.addi %add3A_4, %min3A_840 : i32
      %eq3A_842 = arith.constant 781 : i32
      %eq3A_843 = arith.cmpi eq, %add3A_841, %eq3A_842 : i32
      %mul3A_844 = arith.constant 128 : i32
      %mul3A_845 = arith.muli %add3A_841, %mul3A_844 : i32
      %jit3A_846 = arith.constant 99872 : i32
      %select_n3A_847 = arith.select %eq3A_843, %jit3A_846, %mul3A_845 : i32
      %multiple_of3A_848 = tpu.assume_multiple %select_n3A_847, 8 : i32
      %sub3A_849 = arith.subi %multiple_of3A_848, %multiple_of3A : i32
      %multiple_of3A_850 = tpu.assume_multiple %sub3A_849, 8 : i32
      %dma_start3A_851 = tpu.memref_slice %arg5[%multiple_of3A_850] : memref<3200xi32, #tpu.memory_space<vmem>> -> memref<128xi32, #tpu.memory_space<vmem>>
      %dma_start3A_852 = arith.constant 0 : i32
      %dma_start3A_853 = arith.constant 0 : i32
      %dma_start3A_854 = tpu.memref_slice %arg6[%dma_start3A_852, %dma_start3A_853] : memref<1024x128xf32, #tpu.memory_space<vmem_shared>> -> memref<1024x128xf32, #tpu.memory_space<vmem_shared>>
      tpu.enqueue_indirect_dma source(%dma_start3A_854 : memref<1024x128xf32, #tpu.memory_space<vmem_shared>>) target(%arg9 : memref<128x128xf32, #tpu.memory_space<vmem>>) offsets(%dma_start3A_851 : memref<128xi32, #tpu.memory_space<vmem>>) semaphore(%arg16 : memref<!tpu.dma_semaphore, #tpu.memory_space<semaphore_mem>>)
      %min3A_855 = arith.minsi %add3A_820, %select_n3A : i32
      %add3A_856 = arith.addi %add3A_4, %min3A_855 : i32
      %eq3A_857 = arith.constant 781 : i32
      %eq3A_858 = arith.cmpi eq, %add3A_856, %eq3A_857 : i32
      %mul3A_859 = arith.constant 128 : i32
      %mul3A_860 = arith.muli %add3A_856, %mul3A_859 : i32
      %jit3A_861 = arith.constant 99872 : i32
      %select_n3A_862 = arith.select %eq3A_858, %jit3A_861, %mul3A_860 : i32
      %multiple_of3A_863 = tpu.assume_multiple %select_n3A_862, 8 : i32
      %sub3A_864 = arith.subi %multiple_of3A_863, %multiple_of3A : i32
      %multiple_of3A_865 = tpu.assume_multiple %sub3A_864, 8 : i32
      %dma_wait3A_866 = tpu.memref_slice %arg5[%multiple_of3A_865] : memref<3200xi32, #tpu.memory_space<vmem>> -> memref<128xi32, #tpu.memory_space<vmem>>
      %dma_wait3A_867 = arith.constant 0 : i32
      %dma_wait3A_868 = arith.constant 0 : i32
      %dma_wait3A_869 = tpu.memref_slice %arg6[%dma_wait3A_867, %dma_wait3A_868] : memref<1024x128xf32, #tpu.memory_space<vmem_shared>> -> memref<1024x128xf32, #tpu.memory_space<vmem_shared>>
      tpu.wait_indirect_dma semaphore(%arg14 : memref<!tpu.dma_semaphore, #tpu.memory_space<semaphore_mem>>) src(%dma_wait3A_869 : memref<1024x128xf32, #tpu.memory_space<vmem_shared>>) dst(%arg7 : memref<128x128xf32, #tpu.memory_space<vmem>>)
      %min3A_870 = arith.minsi %add3A_820, %select_n3A : i32
      %add3A_871 = arith.addi %add3A_4, %min3A_870 : i32
      %eq3A_872 = arith.constant 781 : i32
      %eq3A_873 = arith.cmpi eq, %add3A_871, %eq3A_872 : i32
      %mul3A_874 = arith.constant 128 : i32
      %mul3A_875 = arith.muli %add3A_871, %mul3A_874 : i32
      %jit3A_876 = arith.constant 99872 : i32
      %select_n3A_877 = arith.select %eq3A_873, %jit3A_876, %mul3A_875 : i32
      %multiple_of3A_878 = tpu.assume_multiple %select_n3A_877, 8 : i32
      %dma_start3A_879 = arith.constant 0 : i32
      %dma_start3A_880 = tpu.memref_slice %arg4[%multiple_of3A_878, %dma_start3A_879] : memref<100000x128xf32, #tpu.memory_space<hbm>> -> memref<128x128xf32, #tpu.memory_space<hbm>>
      %dma_start3A_881 = arith.constant 0 : i32
      %dma_start3A_882 = tpu.memref_slice %arg4[%multiple_of3A_878, %dma_start3A_881] : memref<100000x128xf32, #tpu.memory_space<hbm>> -> memref<128x128xf32, #tpu.memory_space<hbm>>
      tpu.enqueue_dma source(%arg7 : memref<128x128xf32, #tpu.memory_space<vmem>>) target(%dma_start3A_882 : memref<128x128xf32, #tpu.memory_space<hbm>>) target_semaphore(%arg21 : memref<!tpu.dma_semaphore, #tpu.memory_space<semaphore_mem>>)
      %mul3A_883 = arith.constant 7 : i32
      %mul3A_884 = arith.muli %scan3A_678, %mul3A_883 : i32
      %add3A_885 = arith.constant 5 : i32
      %add3A_886 = arith.addi %add3A_885, %mul3A_884 : i32
      %add3A_887 = arith.constant 3 : i32
      %add3A_888 = arith.addi %add3A_886, %add3A_887 : i32
      %sub3A_889 = arith.constant 7 : i32
      %sub3A_890 = arith.subi %add3A_888, %sub3A_889 : i32
      %add3A_891 = arith.constant 2 : i32
      %add3A_892 = arith.addi %sub3A_890, %add3A_891 : i32
      %min3A_893 = arith.minsi %add3A_892, %select_n3A : i32
      %add3A_894 = arith.addi %add3A_4, %min3A_893 : i32
      %eq3A_895 = arith.constant 781 : i32
      %eq3A_896 = arith.cmpi eq, %add3A_894, %eq3A_895 : i32
      %mul3A_897 = arith.constant 128 : i32
      %mul3A_898 = arith.muli %add3A_894, %mul3A_897 : i32
      %jit3A_899 = arith.constant 99872 : i32
      %select_n3A_900 = arith.select %eq3A_896, %jit3A_899, %mul3A_898 : i32
      %multiple_of3A_901 = tpu.assume_multiple %select_n3A_900, 8 : i32
      %dma_wait3A_902 = arith.constant 0 : i32
      %dma_wait3A_903 = tpu.memref_slice %arg4[%multiple_of3A_901, %dma_wait3A_902] : memref<100000x128xf32, #tpu.memory_space<hbm>> -> memref<128x128xf32, #tpu.memory_space<hbm>>
      %dma_wait3A_904 = arith.constant 0 : i32
      %dma_wait3A_905 = tpu.memref_slice %arg4[%multiple_of3A_901, %dma_wait3A_904] : memref<100000x128xf32, #tpu.memory_space<hbm>> -> memref<128x128xf32, #tpu.memory_space<hbm>>
      tpu.wait_dma2 semaphore(%arg24 : memref<!tpu.dma_semaphore, #tpu.memory_space<semaphore_mem>>) src(%arg10 : memref<128x128xf32, #tpu.memory_space<vmem>>) dst(%dma_wait3A_905 : memref<128x128xf32, #tpu.memory_space<hbm>>)
      %add3A_906 = arith.constant 2 : i32
      %add3A_907 = arith.addi %add3A_888, %add3A_906 : i32
      %min3A_908 = arith.minsi %add3A_907, %select_n3A : i32
      %add3A_909 = arith.addi %add3A_4, %min3A_908 : i32
      %eq3A_910 = arith.constant 781 : i32
      %eq3A_911 = arith.cmpi eq, %add3A_909, %eq3A_910 : i32
      %mul3A_912 = arith.constant 128 : i32
      %mul3A_913 = arith.muli %add3A_909, %mul3A_912 : i32
      %jit3A_914 = arith.constant 99872 : i32
      %select_n3A_915 = arith.select %eq3A_911, %jit3A_914, %mul3A_913 : i32
      %multiple_of3A_916 = tpu.assume_multiple %select_n3A_915, 8 : i32
      %sub3A_917 = arith.subi %multiple_of3A_916, %multiple_of3A : i32
      %multiple_of3A_918 = tpu.assume_multiple %sub3A_917, 8 : i32
      %dma_start3A_919 = tpu.memref_slice %arg5[%multiple_of3A_918] : memref<3200xi32, #tpu.memory_space<vmem>> -> memref<128xi32, #tpu.memory_space<vmem>>
      %dma_start3A_920 = arith.constant 0 : i32
      %dma_start3A_921 = arith.constant 0 : i32
      %dma_start3A_922 = tpu.memref_slice %arg6[%dma_start3A_920, %dma_start3A_921] : memref<1024x128xf32, #tpu.memory_space<vmem_shared>> -> memref<1024x128xf32, #tpu.memory_space<vmem_shared>>
      tpu.enqueue_indirect_dma source(%dma_start3A_922 : memref<1024x128xf32, #tpu.memory_space<vmem_shared>>) target(%arg10 : memref<128x128xf32, #tpu.memory_space<vmem>>) offsets(%dma_start3A_919 : memref<128xi32, #tpu.memory_space<vmem>>) semaphore(%arg17 : memref<!tpu.dma_semaphore, #tpu.memory_space<semaphore_mem>>)
      %min3A_923 = arith.minsi %add3A_888, %select_n3A : i32
      %add3A_924 = arith.addi %add3A_4, %min3A_923 : i32
      %eq3A_925 = arith.constant 781 : i32
      %eq3A_926 = arith.cmpi eq, %add3A_924, %eq3A_925 : i32
      %mul3A_927 = arith.constant 128 : i32
      %mul3A_928 = arith.muli %add3A_924, %mul3A_927 : i32
      %jit3A_929 = arith.constant 99872 : i32
      %select_n3A_930 = arith.select %eq3A_926, %jit3A_929, %mul3A_928 : i32
      %multiple_of3A_931 = tpu.assume_multiple %select_n3A_930, 8 : i32
      %sub3A_932 = arith.subi %multiple_of3A_931, %multiple_of3A : i32
      %multiple_of3A_933 = tpu.assume_multiple %sub3A_932, 8 : i32
      %dma_wait3A_934 = tpu.memref_slice %arg5[%multiple_of3A_933] : memref<3200xi32, #tpu.memory_space<vmem>> -> memref<128xi32, #tpu.memory_space<vmem>>
      %dma_wait3A_935 = arith.constant 0 : i32
      %dma_wait3A_936 = arith.constant 0 : i32
      %dma_wait3A_937 = tpu.memref_slice %arg6[%dma_wait3A_935, %dma_wait3A_936] : memref<1024x128xf32, #tpu.memory_space<vmem_shared>> -> memref<1024x128xf32, #tpu.memory_space<vmem_shared>>
      tpu.wait_indirect_dma semaphore(%arg15 : memref<!tpu.dma_semaphore, #tpu.memory_space<semaphore_mem>>) src(%dma_wait3A_937 : memref<1024x128xf32, #tpu.memory_space<vmem_shared>>) dst(%arg8 : memref<128x128xf32, #tpu.memory_space<vmem>>)
      %min3A_938 = arith.minsi %add3A_888, %select_n3A : i32
      %add3A_939 = arith.addi %add3A_4, %min3A_938 : i32
      %eq3A_940 = arith.constant 781 : i32
      %eq3A_941 = arith.cmpi eq, %add3A_939, %eq3A_940 : i32
      %mul3A_942 = arith.constant 128 : i32
      %mul3A_943 = arith.muli %add3A_939, %mul3A_942 : i32
      %jit3A_944 = arith.constant 99872 : i32
      %select_n3A_945 = arith.select %eq3A_941, %jit3A_944, %mul3A_943 : i32
      %multiple_of3A_946 = tpu.assume_multiple %select_n3A_945, 8 : i32
      %dma_start3A_947 = arith.constant 0 : i32
      %dma_start3A_948 = tpu.memref_slice %arg4[%multiple_of3A_946, %dma_start3A_947] : memref<100000x128xf32, #tpu.memory_space<hbm>> -> memref<128x128xf32, #tpu.memory_space<hbm>>
      %dma_start3A_949 = arith.constant 0 : i32
      %dma_start3A_950 = tpu.memref_slice %arg4[%multiple_of3A_946, %dma_start3A_949] : memref<100000x128xf32, #tpu.memory_space<hbm>> -> memref<128x128xf32, #tpu.memory_space<hbm>>
      tpu.enqueue_dma source(%arg8 : memref<128x128xf32, #tpu.memory_space<vmem>>) target(%dma_start3A_950 : memref<128x128xf32, #tpu.memory_space<hbm>>) target_semaphore(%arg22 : memref<!tpu.dma_semaphore, #tpu.memory_space<semaphore_mem>>)
      %mul3A_951 = arith.constant 7 : i32
      %mul3A_952 = arith.muli %scan3A_678, %mul3A_951 : i32
      %add3A_953 = arith.constant 5 : i32
      %add3A_954 = arith.addi %add3A_953, %mul3A_952 : i32
      %add3A_955 = arith.constant 4 : i32
      %add3A_956 = arith.addi %add3A_954, %add3A_955 : i32
      %sub3A_957 = arith.constant 7 : i32
      %sub3A_958 = arith.subi %add3A_956, %sub3A_957 : i32
      %add3A_959 = arith.constant 2 : i32
      %add3A_960 = arith.addi %sub3A_958, %add3A_959 : i32
      %min3A_961 = arith.minsi %add3A_960, %select_n3A : i32
      %add3A_962 = arith.addi %add3A_4, %min3A_961 : i32
      %eq3A_963 = arith.constant 781 : i32
      %eq3A_964 = arith.cmpi eq, %add3A_962, %eq3A_963 : i32
      %mul3A_965 = arith.constant 128 : i32
      %mul3A_966 = arith.muli %add3A_962, %mul3A_965 : i32
      %jit3A_967 = arith.constant 99872 : i32
      %select_n3A_968 = arith.select %eq3A_964, %jit3A_967, %mul3A_966 : i32
      %multiple_of3A_969 = tpu.assume_multiple %select_n3A_968, 8 : i32
      %dma_wait3A_970 = arith.constant 0 : i32
      %dma_wait3A_971 = tpu.memref_slice %arg4[%multiple_of3A_969, %dma_wait3A_970] : memref<100000x128xf32, #tpu.memory_space<hbm>> -> memref<128x128xf32, #tpu.memory_space<hbm>>
      %dma_wait3A_972 = arith.constant 0 : i32
      %dma_wait3A_973 = tpu.memref_slice %arg4[%multiple_of3A_969, %dma_wait3A_972] : memref<100000x128xf32, #tpu.memory_space<hbm>> -> memref<128x128xf32, #tpu.memory_space<hbm>>
      tpu.wait_dma2 semaphore(%arg25 : memref<!tpu.dma_semaphore, #tpu.memory_space<semaphore_mem>>) src(%arg11 : memref<128x128xf32, #tpu.memory_space<vmem>>) dst(%dma_wait3A_973 : memref<128x128xf32, #tpu.memory_space<hbm>>)
      %add3A_974 = arith.constant 2 : i32
      %add3A_975 = arith.addi %add3A_956, %add3A_974 : i32
      %min3A_976 = arith.minsi %add3A_975, %select_n3A : i32
      %add3A_977 = arith.addi %add3A_4, %min3A_976 : i32
      %eq3A_978 = arith.constant 781 : i32
      %eq3A_979 = arith.cmpi eq, %add3A_977, %eq3A_978 : i32
      %mul3A_980 = arith.constant 128 : i32
      %mul3A_981 = arith.muli %add3A_977, %mul3A_980 : i32
      %jit3A_982 = arith.constant 99872 : i32
      %select_n3A_983 = arith.select %eq3A_979, %jit3A_982, %mul3A_981 : i32
      %multiple_of3A_984 = tpu.assume_multiple %select_n3A_983, 8 : i32
      %sub3A_985 = arith.subi %multiple_of3A_984, %multiple_of3A : i32
      %multiple_of3A_986 = tpu.assume_multiple %sub3A_985, 8 : i32
      %dma_start3A_987 = tpu.memref_slice %arg5[%multiple_of3A_986] : memref<3200xi32, #tpu.memory_space<vmem>> -> memref<128xi32, #tpu.memory_space<vmem>>
      %dma_start3A_988 = arith.constant 0 : i32
      %dma_start3A_989 = arith.constant 0 : i32
      %dma_start3A_990 = tpu.memref_slice %arg6[%dma_start3A_988, %dma_start3A_989] : memref<1024x128xf32, #tpu.memory_space<vmem_shared>> -> memref<1024x128xf32, #tpu.memory_space<vmem_shared>>
      tpu.enqueue_indirect_dma source(%dma_start3A_990 : memref<1024x128xf32, #tpu.memory_space<vmem_shared>>) target(%arg11 : memref<128x128xf32, #tpu.memory_space<vmem>>) offsets(%dma_start3A_987 : memref<128xi32, #tpu.memory_space<vmem>>) semaphore(%arg18 : memref<!tpu.dma_semaphore, #tpu.memory_space<semaphore_mem>>)
      %min3A_991 = arith.minsi %add3A_956, %select_n3A : i32
      %add3A_992 = arith.addi %add3A_4, %min3A_991 : i32
      %eq3A_993 = arith.constant 781 : i32
      %eq3A_994 = arith.cmpi eq, %add3A_992, %eq3A_993 : i32
      %mul3A_995 = arith.constant 128 : i32
      %mul3A_996 = arith.muli %add3A_992, %mul3A_995 : i32
      %jit3A_997 = arith.constant 99872 : i32
      %select_n3A_998 = arith.select %eq3A_994, %jit3A_997, %mul3A_996 : i32
      %multiple_of3A_999 = tpu.assume_multiple %select_n3A_998, 8 : i32
      %sub3A_1000 = arith.subi %multiple_of3A_999, %multiple_of3A : i32
      %multiple_of3A_1001 = tpu.assume_multiple %sub3A_1000, 8 : i32
      %dma_wait3A_1002 = tpu.memref_slice %arg5[%multiple_of3A_1001] : memref<3200xi32, #tpu.memory_space<vmem>> -> memref<128xi32, #tpu.memory_space<vmem>>
      %dma_wait3A_1003 = arith.constant 0 : i32
      %dma_wait3A_1004 = arith.constant 0 : i32
      %dma_wait3A_1005 = tpu.memref_slice %arg6[%dma_wait3A_1003, %dma_wait3A_1004] : memref<1024x128xf32, #tpu.memory_space<vmem_shared>> -> memref<1024x128xf32, #tpu.memory_space<vmem_shared>>
      tpu.wait_indirect_dma semaphore(%arg16 : memref<!tpu.dma_semaphore, #tpu.memory_space<semaphore_mem>>) src(%dma_wait3A_1005 : memref<1024x128xf32, #tpu.memory_space<vmem_shared>>) dst(%arg9 : memref<128x128xf32, #tpu.memory_space<vmem>>)
      %min3A_1006 = arith.minsi %add3A_956, %select_n3A : i32
      %add3A_1007 = arith.addi %add3A_4, %min3A_1006 : i32
      %eq3A_1008 = arith.constant 781 : i32
      %eq3A_1009 = arith.cmpi eq, %add3A_1007, %eq3A_1008 : i32
      %mul3A_1010 = arith.constant 128 : i32
      %mul3A_1011 = arith.muli %add3A_1007, %mul3A_1010 : i32
      %jit3A_1012 = arith.constant 99872 : i32
      %select_n3A_1013 = arith.select %eq3A_1009, %jit3A_1012, %mul3A_1011 : i32
      %multiple_of3A_1014 = tpu.assume_multiple %select_n3A_1013, 8 : i32
      %dma_start3A_1015 = arith.constant 0 : i32
      %dma_start3A_1016 = tpu.memref_slice %arg4[%multiple_of3A_1014, %dma_start3A_1015] : memref<100000x128xf32, #tpu.memory_space<hbm>> -> memref<128x128xf32, #tpu.memory_space<hbm>>
      %dma_start3A_1017 = arith.constant 0 : i32
      %dma_start3A_1018 = tpu.memref_slice %arg4[%multiple_of3A_1014, %dma_start3A_1017] : memref<100000x128xf32, #tpu.memory_space<hbm>> -> memref<128x128xf32, #tpu.memory_space<hbm>>
      tpu.enqueue_dma source(%arg9 : memref<128x128xf32, #tpu.memory_space<vmem>>) target(%dma_start3A_1018 : memref<128x128xf32, #tpu.memory_space<hbm>>) target_semaphore(%arg23 : memref<!tpu.dma_semaphore, #tpu.memory_space<semaphore_mem>>)
      %mul3A_1019 = arith.constant 7 : i32
      %mul3A_1020 = arith.muli %scan3A_678, %mul3A_1019 : i32
      %add3A_1021 = arith.constant 5 : i32
      %add3A_1022 = arith.addi %add3A_1021, %mul3A_1020 : i32
      %add3A_1023 = arith.constant 5 : i32
      %add3A_1024 = arith.addi %add3A_1022, %add3A_1023 : i32
      %sub3A_1025 = arith.constant 7 : i32
      %sub3A_1026 = arith.subi %add3A_1024, %sub3A_1025 : i32
      %add3A_1027 = arith.constant 2 : i32
      %add3A_1028 = arith.addi %sub3A_1026, %add3A_1027 : i32
      %min3A_1029 = arith.minsi %add3A_1028, %select_n3A : i32
      %add3A_1030 = arith.addi %add3A_4, %min3A_1029 : i32
      %eq3A_1031 = arith.constant 781 : i32
      %eq3A_1032 = arith.cmpi eq, %add3A_1030, %eq3A_1031 : i32
      %mul3A_1033 = arith.constant 128 : i32
      %mul3A_1034 = arith.muli %add3A_1030, %mul3A_1033 : i32
      %jit3A_1035 = arith.constant 99872 : i32
      %select_n3A_1036 = arith.select %eq3A_1032, %jit3A_1035, %mul3A_1034 : i32
      %multiple_of3A_1037 = tpu.assume_multiple %select_n3A_1036, 8 : i32
      %dma_wait3A_1038 = arith.constant 0 : i32
      %dma_wait3A_1039 = tpu.memref_slice %arg4[%multiple_of3A_1037, %dma_wait3A_1038] : memref<100000x128xf32, #tpu.memory_space<hbm>> -> memref<128x128xf32, #tpu.memory_space<hbm>>
      %dma_wait3A_1040 = arith.constant 0 : i32
      %dma_wait3A_1041 = tpu.memref_slice %arg4[%multiple_of3A_1037, %dma_wait3A_1040] : memref<100000x128xf32, #tpu.memory_space<hbm>> -> memref<128x128xf32, #tpu.memory_space<hbm>>
      tpu.wait_dma2 semaphore(%arg26 : memref<!tpu.dma_semaphore, #tpu.memory_space<semaphore_mem>>) src(%arg12 : memref<128x128xf32, #tpu.memory_space<vmem>>) dst(%dma_wait3A_1041 : memref<128x128xf32, #tpu.memory_space<hbm>>)
      %add3A_1042 = arith.constant 2 : i32
      %add3A_1043 = arith.addi %add3A_1024, %add3A_1042 : i32
      %min3A_1044 = arith.minsi %add3A_1043, %select_n3A : i32
      %add3A_1045 = arith.addi %add3A_4, %min3A_1044 : i32
      %eq3A_1046 = arith.constant 781 : i32
      %eq3A_1047 = arith.cmpi eq, %add3A_1045, %eq3A_1046 : i32
      %mul3A_1048 = arith.constant 128 : i32
      %mul3A_1049 = arith.muli %add3A_1045, %mul3A_1048 : i32
      %jit3A_1050 = arith.constant 99872 : i32
      %select_n3A_1051 = arith.select %eq3A_1047, %jit3A_1050, %mul3A_1049 : i32
      %multiple_of3A_1052 = tpu.assume_multiple %select_n3A_1051, 8 : i32
      %sub3A_1053 = arith.subi %multiple_of3A_1052, %multiple_of3A : i32
      %multiple_of3A_1054 = tpu.assume_multiple %sub3A_1053, 8 : i32
      %dma_start3A_1055 = tpu.memref_slice %arg5[%multiple_of3A_1054] : memref<3200xi32, #tpu.memory_space<vmem>> -> memref<128xi32, #tpu.memory_space<vmem>>
      %dma_start3A_1056 = arith.constant 0 : i32
      %dma_start3A_1057 = arith.constant 0 : i32
      %dma_start3A_1058 = tpu.memref_slice %arg6[%dma_start3A_1056, %dma_start3A_1057] : memref<1024x128xf32, #tpu.memory_space<vmem_shared>> -> memref<1024x128xf32, #tpu.memory_space<vmem_shared>>
      tpu.enqueue_indirect_dma source(%dma_start3A_1058 : memref<1024x128xf32, #tpu.memory_space<vmem_shared>>) target(%arg12 : memref<128x128xf32, #tpu.memory_space<vmem>>) offsets(%dma_start3A_1055 : memref<128xi32, #tpu.memory_space<vmem>>) semaphore(%arg19 : memref<!tpu.dma_semaphore, #tpu.memory_space<semaphore_mem>>)
      %min3A_1059 = arith.minsi %add3A_1024, %select_n3A : i32
      %add3A_1060 = arith.addi %add3A_4, %min3A_1059 : i32
      %eq3A_1061 = arith.constant 781 : i32
      %eq3A_1062 = arith.cmpi eq, %add3A_1060, %eq3A_1061 : i32
      %mul3A_1063 = arith.constant 128 : i32
      %mul3A_1064 = arith.muli %add3A_1060, %mul3A_1063 : i32
      %jit3A_1065 = arith.constant 99872 : i32
      %select_n3A_1066 = arith.select %eq3A_1062, %jit3A_1065, %mul3A_1064 : i32
      %multiple_of3A_1067 = tpu.assume_multiple %select_n3A_1066, 8 : i32
      %sub3A_1068 = arith.subi %multiple_of3A_1067, %multiple_of3A : i32
      %multiple_of3A_1069 = tpu.assume_multiple %sub3A_1068, 8 : i32
      %dma_wait3A_1070 = tpu.memref_slice %arg5[%multiple_of3A_1069] : memref<3200xi32, #tpu.memory_space<vmem>> -> memref<128xi32, #tpu.memory_space<vmem>>
      %dma_wait3A_1071 = arith.constant 0 : i32
      %dma_wait3A_1072 = arith.constant 0 : i32
      %dma_wait3A_1073 = tpu.memref_slice %arg6[%dma_wait3A_1071, %dma_wait3A_1072] : memref<1024x128xf32, #tpu.memory_space<vmem_shared>> -> memref<1024x128xf32, #tpu.memory_space<vmem_shared>>
      tpu.wait_indirect_dma semaphore(%arg17 : memref<!tpu.dma_semaphore, #tpu.memory_space<semaphore_mem>>) src(%dma_wait3A_1073 : memref<1024x128xf32, #tpu.memory_space<vmem_shared>>) dst(%arg10 : memref<128x128xf32, #tpu.memory_space<vmem>>)
      %min3A_1074 = arith.minsi %add3A_1024, %select_n3A : i32
      %add3A_1075 = arith.addi %add3A_4, %min3A_1074 : i32
      %eq3A_1076 = arith.constant 781 : i32
      %eq3A_1077 = arith.cmpi eq, %add3A_1075, %eq3A_1076 : i32
      %mul3A_1078 = arith.constant 128 : i32
      %mul3A_1079 = arith.muli %add3A_1075, %mul3A_1078 : i32
      %jit3A_1080 = arith.constant 99872 : i32
      %select_n3A_1081 = arith.select %eq3A_1077, %jit3A_1080, %mul3A_1079 : i32
      %multiple_of3A_1082 = tpu.assume_multiple %select_n3A_1081, 8 : i32
      %dma_start3A_1083 = arith.constant 0 : i32
      %dma_start3A_1084 = tpu.memref_slice %arg4[%multiple_of3A_1082, %dma_start3A_1083] : memref<100000x128xf32, #tpu.memory_space<hbm>> -> memref<128x128xf32, #tpu.memory_space<hbm>>
      %dma_start3A_1085 = arith.constant 0 : i32
      %dma_start3A_1086 = tpu.memref_slice %arg4[%multiple_of3A_1082, %dma_start3A_1085] : memref<100000x128xf32, #tpu.memory_space<hbm>> -> memref<128x128xf32, #tpu.memory_space<hbm>>
      tpu.enqueue_dma source(%arg10 : memref<128x128xf32, #tpu.memory_space<vmem>>) target(%dma_start3A_1086 : memref<128x128xf32, #tpu.memory_space<hbm>>) target_semaphore(%arg24 : memref<!tpu.dma_semaphore, #tpu.memory_space<semaphore_mem>>)
      %mul3A_1087 = arith.constant 7 : i32
      %mul3A_1088 = arith.muli %scan3A_678, %mul3A_1087 : i32
      %add3A_1089 = arith.constant 5 : i32
      %add3A_1090 = arith.addi %add3A_1089, %mul3A_1088 : i32
      %add3A_1091 = arith.constant 6 : i32
      %add3A_1092 = arith.addi %add3A_1090, %add3A_1091 : i32
      %sub3A_1093 = arith.constant 7 : i32
      %sub3A_1094 = arith.subi %add3A_1092, %sub3A_1093 : i32
      %add3A_1095 = arith.constant 2 : i32
      %add3A_1096 = arith.addi %sub3A_1094, %add3A_1095 : i32
      %min3A_1097 = arith.minsi %add3A_1096, %select_n3A : i32
      %add3A_1098 = arith.addi %add3A_4, %min3A_1097 : i32
      %eq3A_1099 = arith.constant 781 : i32
      %eq3A_1100 = arith.cmpi eq, %add3A_1098, %eq3A_1099 : i32
      %mul3A_1101 = arith.constant 128 : i32
      %mul3A_1102 = arith.muli %add3A_1098, %mul3A_1101 : i32
      %jit3A_1103 = arith.constant 99872 : i32
      %select_n3A_1104 = arith.select %eq3A_1100, %jit3A_1103, %mul3A_1102 : i32
      %multiple_of3A_1105 = tpu.assume_multiple %select_n3A_1104, 8 : i32
      %dma_wait3A_1106 = arith.constant 0 : i32
      %dma_wait3A_1107 = tpu.memref_slice %arg4[%multiple_of3A_1105, %dma_wait3A_1106] : memref<100000x128xf32, #tpu.memory_space<hbm>> -> memref<128x128xf32, #tpu.memory_space<hbm>>
      %dma_wait3A_1108 = arith.constant 0 : i32
      %dma_wait3A_1109 = tpu.memref_slice %arg4[%multiple_of3A_1105, %dma_wait3A_1108] : memref<100000x128xf32, #tpu.memory_space<hbm>> -> memref<128x128xf32, #tpu.memory_space<hbm>>
      tpu.wait_dma2 semaphore(%arg27 : memref<!tpu.dma_semaphore, #tpu.memory_space<semaphore_mem>>) src(%arg13 : memref<128x128xf32, #tpu.memory_space<vmem>>) dst(%dma_wait3A_1109 : memref<128x128xf32, #tpu.memory_space<hbm>>)
      %add3A_1110 = arith.constant 2 : i32
      %add3A_1111 = arith.addi %add3A_1092, %add3A_1110 : i32
      %min3A_1112 = arith.minsi %add3A_1111, %select_n3A : i32
      %add3A_1113 = arith.addi %add3A_4, %min3A_1112 : i32
      %eq3A_1114 = arith.constant 781 : i32
      %eq3A_1115 = arith.cmpi eq, %add3A_1113, %eq3A_1114 : i32
      %mul3A_1116 = arith.constant 128 : i32
      %mul3A_1117 = arith.muli %add3A_1113, %mul3A_1116 : i32
      %jit3A_1118 = arith.constant 99872 : i32
      %select_n3A_1119 = arith.select %eq3A_1115, %jit3A_1118, %mul3A_1117 : i32
      %multiple_of3A_1120 = tpu.assume_multiple %select_n3A_1119, 8 : i32
      %sub3A_1121 = arith.subi %multiple_of3A_1120, %multiple_of3A : i32
      %multiple_of3A_1122 = tpu.assume_multiple %sub3A_1121, 8 : i32
      %dma_start3A_1123 = tpu.memref_slice %arg5[%multiple_of3A_1122] : memref<3200xi32, #tpu.memory_space<vmem>> -> memref<128xi32, #tpu.memory_space<vmem>>
      %dma_start3A_1124 = arith.constant 0 : i32
      %dma_start3A_1125 = arith.constant 0 : i32
      %dma_start3A_1126 = tpu.memref_slice %arg6[%dma_start3A_1124, %dma_start3A_1125] : memref<1024x128xf32, #tpu.memory_space<vmem_shared>> -> memref<1024x128xf32, #tpu.memory_space<vmem_shared>>
      tpu.enqueue_indirect_dma source(%dma_start3A_1126 : memref<1024x128xf32, #tpu.memory_space<vmem_shared>>) target(%arg13 : memref<128x128xf32, #tpu.memory_space<vmem>>) offsets(%dma_start3A_1123 : memref<128xi32, #tpu.memory_space<vmem>>) semaphore(%arg20 : memref<!tpu.dma_semaphore, #tpu.memory_space<semaphore_mem>>)
      %min3A_1127 = arith.minsi %add3A_1092, %select_n3A : i32
      %add3A_1128 = arith.addi %add3A_4, %min3A_1127 : i32
      %eq3A_1129 = arith.constant 781 : i32
      %eq3A_1130 = arith.cmpi eq, %add3A_1128, %eq3A_1129 : i32
      %mul3A_1131 = arith.constant 128 : i32
      %mul3A_1132 = arith.muli %add3A_1128, %mul3A_1131 : i32
      %jit3A_1133 = arith.constant 99872 : i32
      %select_n3A_1134 = arith.select %eq3A_1130, %jit3A_1133, %mul3A_1132 : i32
      %multiple_of3A_1135 = tpu.assume_multiple %select_n3A_1134, 8 : i32
      %sub3A_1136 = arith.subi %multiple_of3A_1135, %multiple_of3A : i32
      %multiple_of3A_1137 = tpu.assume_multiple %sub3A_1136, 8 : i32
      %dma_wait3A_1138 = tpu.memref_slice %arg5[%multiple_of3A_1137] : memref<3200xi32, #tpu.memory_space<vmem>> -> memref<128xi32, #tpu.memory_space<vmem>>
      %dma_wait3A_1139 = arith.constant 0 : i32
      %dma_wait3A_1140 = arith.constant 0 : i32
      %dma_wait3A_1141 = tpu.memref_slice %arg6[%dma_wait3A_1139, %dma_wait3A_1140] : memref<1024x128xf32, #tpu.memory_space<vmem_shared>> -> memref<1024x128xf32, #tpu.memory_space<vmem_shared>>
      tpu.wait_indirect_dma semaphore(%arg18 : memref<!tpu.dma_semaphore, #tpu.memory_space<semaphore_mem>>) src(%dma_wait3A_1141 : memref<1024x128xf32, #tpu.memory_space<vmem_shared>>) dst(%arg11 : memref<128x128xf32, #tpu.memory_space<vmem>>)
      %min3A_1142 = arith.minsi %add3A_1092, %select_n3A : i32
      %add3A_1143 = arith.addi %add3A_4, %min3A_1142 : i32
      %eq3A_1144 = arith.constant 781 : i32
      %eq3A_1145 = arith.cmpi eq, %add3A_1143, %eq3A_1144 : i32
      %mul3A_1146 = arith.constant 128 : i32
      %mul3A_1147 = arith.muli %add3A_1143, %mul3A_1146 : i32
      %jit3A_1148 = arith.constant 99872 : i32
      %select_n3A_1149 = arith.select %eq3A_1145, %jit3A_1148, %mul3A_1147 : i32
      %multiple_of3A_1150 = tpu.assume_multiple %select_n3A_1149, 8 : i32
      %dma_start3A_1151 = arith.constant 0 : i32
      %dma_start3A_1152 = tpu.memref_slice %arg4[%multiple_of3A_1150, %dma_start3A_1151] : memref<100000x128xf32, #tpu.memory_space<hbm>> -> memref<128x128xf32, #tpu.memory_space<hbm>>
      %dma_start3A_1153 = arith.constant 0 : i32
      %dma_start3A_1154 = tpu.memref_slice %arg4[%multiple_of3A_1150, %dma_start3A_1153] : memref<100000x128xf32, #tpu.memory_space<hbm>> -> memref<128x128xf32, #tpu.memory_space<hbm>>
      tpu.enqueue_dma source(%arg11 : memref<128x128xf32, #tpu.memory_space<vmem>>) target(%dma_start3A_1154 : memref<128x128xf32, #tpu.memory_space<hbm>>) target_semaphore(%arg25 : memref<!tpu.dma_semaphore, #tpu.memory_space<semaphore_mem>>)
    }
    %scan3A_279 = arith.constant 2 : i32
    %min3A_280 = arith.constant 14 : i32
    %min3A_281 = arith.minsi %min3A_280, %select_n3A : i32
    %add3A_282 = arith.addi %add3A_4, %min3A_281 : i32
    %eq3A_283 = arith.constant 781 : i32
    %eq3A_284 = arith.cmpi eq, %add3A_282, %eq3A_283 : i32
    %mul3A_285 = arith.constant 128 : i32
    %mul3A_286 = arith.muli %add3A_282, %mul3A_285 : i32
    %jit3A_287 = arith.constant 99872 : i32
    %select_n3A_288 = arith.select %eq3A_284, %jit3A_287, %mul3A_286 : i32
    %multiple_of3A_289 = tpu.assume_multiple %select_n3A_288, 8 : i32
    %dma_wait3A_290 = arith.constant 0 : i32
    %dma_wait3A_291 = tpu.memref_slice %arg4[%multiple_of3A_289, %dma_wait3A_290] : memref<100000x128xf32, #tpu.memory_space<hbm>> -> memref<128x128xf32, #tpu.memory_space<hbm>>
    %dma_wait3A_292 = arith.constant 0 : i32
    %dma_wait3A_293 = tpu.memref_slice %arg4[%multiple_of3A_289, %dma_wait3A_292] : memref<100000x128xf32, #tpu.memory_space<hbm>> -> memref<128x128xf32, #tpu.memory_space<hbm>>
    tpu.wait_dma2 semaphore(%arg21 : memref<!tpu.dma_semaphore, #tpu.memory_space<semaphore_mem>>) src(%arg7 : memref<128x128xf32, #tpu.memory_space<vmem>>) dst(%dma_wait3A_293 : memref<128x128xf32, #tpu.memory_space<hbm>>)
    %min3A_294 = arith.constant 21 : i32
    %min3A_295 = arith.minsi %min3A_294, %select_n3A : i32
    %add3A_296 = arith.addi %add3A_4, %min3A_295 : i32
    %eq3A_297 = arith.constant 781 : i32
    %eq3A_298 = arith.cmpi eq, %add3A_296, %eq3A_297 : i32
    %mul3A_299 = arith.constant 128 : i32
    %mul3A_300 = arith.muli %add3A_296, %mul3A_299 : i32
    %jit3A_301 = arith.constant 99872 : i32
    %select_n3A_302 = arith.select %eq3A_298, %jit3A_301, %mul3A_300 : i32
    %multiple_of3A_303 = tpu.assume_multiple %select_n3A_302, 8 : i32
    %sub3A_304 = arith.subi %multiple_of3A_303, %multiple_of3A : i32
    %multiple_of3A_305 = tpu.assume_multiple %sub3A_304, 8 : i32
    %dma_start3A_306 = tpu.memref_slice %arg5[%multiple_of3A_305] : memref<3200xi32, #tpu.memory_space<vmem>> -> memref<128xi32, #tpu.memory_space<vmem>>
    %dma_start3A_307 = arith.constant 0 : i32
    %dma_start3A_308 = arith.constant 0 : i32
    %dma_start3A_309 = tpu.memref_slice %arg6[%dma_start3A_307, %dma_start3A_308] : memref<1024x128xf32, #tpu.memory_space<vmem_shared>> -> memref<1024x128xf32, #tpu.memory_space<vmem_shared>>
    tpu.enqueue_indirect_dma source(%dma_start3A_309 : memref<1024x128xf32, #tpu.memory_space<vmem_shared>>) target(%arg7 : memref<128x128xf32, #tpu.memory_space<vmem>>) offsets(%dma_start3A_306 : memref<128xi32, #tpu.memory_space<vmem>>) semaphore(%arg14 : memref<!tpu.dma_semaphore, #tpu.memory_space<semaphore_mem>>)
    %min3A_310 = arith.constant 19 : i32
    %min3A_311 = arith.minsi %min3A_310, %select_n3A : i32
    %add3A_312 = arith.addi %add3A_4, %min3A_311 : i32
    %eq3A_313 = arith.constant 781 : i32
    %eq3A_314 = arith.cmpi eq, %add3A_312, %eq3A_313 : i32
    %mul3A_315 = arith.constant 128 : i32
    %mul3A_316 = arith.muli %add3A_312, %mul3A_315 : i32
    %jit3A_317 = arith.constant 99872 : i32
    %select_n3A_318 = arith.select %eq3A_314, %jit3A_317, %mul3A_316 : i32
    %multiple_of3A_319 = tpu.assume_multiple %select_n3A_318, 8 : i32
    %sub3A_320 = arith.subi %multiple_of3A_319, %multiple_of3A : i32
    %multiple_of3A_321 = tpu.assume_multiple %sub3A_320, 8 : i32
    %dma_wait3A_322 = tpu.memref_slice %arg5[%multiple_of3A_321] : memref<3200xi32, #tpu.memory_space<vmem>> -> memref<128xi32, #tpu.memory_space<vmem>>
    %dma_wait3A_323 = arith.constant 0 : i32
    %dma_wait3A_324 = arith.constant 0 : i32
    %dma_wait3A_325 = tpu.memref_slice %arg6[%dma_wait3A_323, %dma_wait3A_324] : memref<1024x128xf32, #tpu.memory_space<vmem_shared>> -> memref<1024x128xf32, #tpu.memory_space<vmem_shared>>
    tpu.wait_indirect_dma semaphore(%arg19 : memref<!tpu.dma_semaphore, #tpu.memory_space<semaphore_mem>>) src(%dma_wait3A_325 : memref<1024x128xf32, #tpu.memory_space<vmem_shared>>) dst(%arg12 : memref<128x128xf32, #tpu.memory_space<vmem>>)
    %min3A_326 = arith.constant 19 : i32
    %min3A_327 = arith.minsi %min3A_326, %select_n3A : i32
    %add3A_328 = arith.addi %add3A_4, %min3A_327 : i32
    %eq3A_329 = arith.constant 781 : i32
    %eq3A_330 = arith.cmpi eq, %add3A_328, %eq3A_329 : i32
    %mul3A_331 = arith.constant 128 : i32
    %mul3A_332 = arith.muli %add3A_328, %mul3A_331 : i32
    %jit3A_333 = arith.constant 99872 : i32
    %select_n3A_334 = arith.select %eq3A_330, %jit3A_333, %mul3A_332 : i32
    %multiple_of3A_335 = tpu.assume_multiple %select_n3A_334, 8 : i32
    %dma_start3A_336 = arith.constant 0 : i32
    %dma_start3A_337 = tpu.memref_slice %arg4[%multiple_of3A_335, %dma_start3A_336] : memref<100000x128xf32, #tpu.memory_space<hbm>> -> memref<128x128xf32, #tpu.memory_space<hbm>>
    %dma_start3A_338 = arith.constant 0 : i32
    %dma_start3A_339 = tpu.memref_slice %arg4[%multiple_of3A_335, %dma_start3A_338] : memref<100000x128xf32, #tpu.memory_space<hbm>> -> memref<128x128xf32, #tpu.memory_space<hbm>>
    tpu.enqueue_dma source(%arg12 : memref<128x128xf32, #tpu.memory_space<vmem>>) target(%dma_start3A_339 : memref<128x128xf32, #tpu.memory_space<hbm>>) target_semaphore(%arg26 : memref<!tpu.dma_semaphore, #tpu.memory_space<semaphore_mem>>)
    %min3A_340 = arith.constant 15 : i32
    %min3A_341 = arith.minsi %min3A_340, %select_n3A : i32
    %add3A_342 = arith.addi %add3A_4, %min3A_341 : i32
    %eq3A_343 = arith.constant 781 : i32
    %eq3A_344 = arith.cmpi eq, %add3A_342, %eq3A_343 : i32
    %mul3A_345 = arith.constant 128 : i32
    %mul3A_346 = arith.muli %add3A_342, %mul3A_345 : i32
    %jit3A_347 = arith.constant 99872 : i32
    %select_n3A_348 = arith.select %eq3A_344, %jit3A_347, %mul3A_346 : i32
    %multiple_of3A_349 = tpu.assume_multiple %select_n3A_348, 8 : i32
    %dma_wait3A_350 = arith.constant 0 : i32
    %dma_wait3A_351 = tpu.memref_slice %arg4[%multiple_of3A_349, %dma_wait3A_350] : memref<100000x128xf32, #tpu.memory_space<hbm>> -> memref<128x128xf32, #tpu.memory_space<hbm>>
    %dma_wait3A_352 = arith.constant 0 : i32
    %dma_wait3A_353 = tpu.memref_slice %arg4[%multiple_of3A_349, %dma_wait3A_352] : memref<100000x128xf32, #tpu.memory_space<hbm>> -> memref<128x128xf32, #tpu.memory_space<hbm>>
    tpu.wait_dma2 semaphore(%arg22 : memref<!tpu.dma_semaphore, #tpu.memory_space<semaphore_mem>>) src(%arg8 : memref<128x128xf32, #tpu.memory_space<vmem>>) dst(%dma_wait3A_353 : memref<128x128xf32, #tpu.memory_space<hbm>>)
    %min3A_354 = arith.constant 22 : i32
    %min3A_355 = arith.minsi %min3A_354, %select_n3A : i32
    %add3A_356 = arith.addi %add3A_4, %min3A_355 : i32
    %eq3A_357 = arith.constant 781 : i32
    %eq3A_358 = arith.cmpi eq, %add3A_356, %eq3A_357 : i32
    %mul3A_359 = arith.constant 128 : i32
    %mul3A_360 = arith.muli %add3A_356, %mul3A_359 : i32
    %jit3A_361 = arith.constant 99872 : i32
    %select_n3A_362 = arith.select %eq3A_358, %jit3A_361, %mul3A_360 : i32
    %multiple_of3A_363 = tpu.assume_multiple %select_n3A_362, 8 : i32
    %sub3A_364 = arith.subi %multiple_of3A_363, %multiple_of3A : i32
    %multiple_of3A_365 = tpu.assume_multiple %sub3A_364, 8 : i32
    %dma_start3A_366 = tpu.memref_slice %arg5[%multiple_of3A_365] : memref<3200xi32, #tpu.memory_space<vmem>> -> memref<128xi32, #tpu.memory_space<vmem>>
    %dma_start3A_367 = arith.constant 0 : i32
    %dma_start3A_368 = arith.constant 0 : i32
    %dma_start3A_369 = tpu.memref_slice %arg6[%dma_start3A_367, %dma_start3A_368] : memref<1024x128xf32, #tpu.memory_space<vmem_shared>> -> memref<1024x128xf32, #tpu.memory_space<vmem_shared>>
    tpu.enqueue_indirect_dma source(%dma_start3A_369 : memref<1024x128xf32, #tpu.memory_space<vmem_shared>>) target(%arg8 : memref<128x128xf32, #tpu.memory_space<vmem>>) offsets(%dma_start3A_366 : memref<128xi32, #tpu.memory_space<vmem>>) semaphore(%arg15 : memref<!tpu.dma_semaphore, #tpu.memory_space<semaphore_mem>>)
    %min3A_370 = arith.constant 20 : i32
    %min3A_371 = arith.minsi %min3A_370, %select_n3A : i32
    %add3A_372 = arith.addi %add3A_4, %min3A_371 : i32
    %eq3A_373 = arith.constant 781 : i32
    %eq3A_374 = arith.cmpi eq, %add3A_372, %eq3A_373 : i32
    %mul3A_375 = arith.constant 128 : i32
    %mul3A_376 = arith.muli %add3A_372, %mul3A_375 : i32
    %jit3A_377 = arith.constant 99872 : i32
    %select_n3A_378 = arith.select %eq3A_374, %jit3A_377, %mul3A_376 : i32
    %multiple_of3A_379 = tpu.assume_multiple %select_n3A_378, 8 : i32
    %sub3A_380 = arith.subi %multiple_of3A_379, %multiple_of3A : i32
    %multiple_of3A_381 = tpu.assume_multiple %sub3A_380, 8 : i32
    %dma_wait3A_382 = tpu.memref_slice %arg5[%multiple_of3A_381] : memref<3200xi32, #tpu.memory_space<vmem>> -> memref<128xi32, #tpu.memory_space<vmem>>
    %dma_wait3A_383 = arith.constant 0 : i32
    %dma_wait3A_384 = arith.constant 0 : i32
    %dma_wait3A_385 = tpu.memref_slice %arg6[%dma_wait3A_383, %dma_wait3A_384] : memref<1024x128xf32, #tpu.memory_space<vmem_shared>> -> memref<1024x128xf32, #tpu.memory_space<vmem_shared>>
    tpu.wait_indirect_dma semaphore(%arg20 : memref<!tpu.dma_semaphore, #tpu.memory_space<semaphore_mem>>) src(%dma_wait3A_385 : memref<1024x128xf32, #tpu.memory_space<vmem_shared>>) dst(%arg13 : memref<128x128xf32, #tpu.memory_space<vmem>>)
    %min3A_386 = arith.constant 20 : i32
    %min3A_387 = arith.minsi %min3A_386, %select_n3A : i32
    %add3A_388 = arith.addi %add3A_4, %min3A_387 : i32
    %eq3A_389 = arith.constant 781 : i32
    %eq3A_390 = arith.cmpi eq, %add3A_388, %eq3A_389 : i32
    %mul3A_391 = arith.constant 128 : i32
    %mul3A_392 = arith.muli %add3A_388, %mul3A_391 : i32
    %jit3A_393 = arith.constant 99872 : i32
    %select_n3A_394 = arith.select %eq3A_390, %jit3A_393, %mul3A_392 : i32
    %multiple_of3A_395 = tpu.assume_multiple %select_n3A_394, 8 : i32
    %dma_start3A_396 = arith.constant 0 : i32
    %dma_start3A_397 = tpu.memref_slice %arg4[%multiple_of3A_395, %dma_start3A_396] : memref<100000x128xf32, #tpu.memory_space<hbm>> -> memref<128x128xf32, #tpu.memory_space<hbm>>
    %dma_start3A_398 = arith.constant 0 : i32
    %dma_start3A_399 = tpu.memref_slice %arg4[%multiple_of3A_395, %dma_start3A_398] : memref<100000x128xf32, #tpu.memory_space<hbm>> -> memref<128x128xf32, #tpu.memory_space<hbm>>
    tpu.enqueue_dma source(%arg13 : memref<128x128xf32, #tpu.memory_space<vmem>>) target(%dma_start3A_399 : memref<128x128xf32, #tpu.memory_space<hbm>>) target_semaphore(%arg27 : memref<!tpu.dma_semaphore, #tpu.memory_space<semaphore_mem>>)
    %min3A_400 = arith.constant 16 : i32
    %min3A_401 = arith.minsi %min3A_400, %select_n3A : i32
    %add3A_402 = arith.addi %add3A_4, %min3A_401 : i32
    %eq3A_403 = arith.constant 781 : i32
    %eq3A_404 = arith.cmpi eq, %add3A_402, %eq3A_403 : i32
    %mul3A_405 = arith.constant 128 : i32
    %mul3A_406 = arith.muli %add3A_402, %mul3A_405 : i32
    %jit3A_407 = arith.constant 99872 : i32
    %select_n3A_408 = arith.select %eq3A_404, %jit3A_407, %mul3A_406 : i32
    %multiple_of3A_409 = tpu.assume_multiple %select_n3A_408, 8 : i32
    %dma_wait3A_410 = arith.constant 0 : i32
    %dma_wait3A_411 = tpu.memref_slice %arg4[%multiple_of3A_409, %dma_wait3A_410] : memref<100000x128xf32, #tpu.memory_space<hbm>> -> memref<128x128xf32, #tpu.memory_space<hbm>>
    %dma_wait3A_412 = arith.constant 0 : i32
    %dma_wait3A_413 = tpu.memref_slice %arg4[%multiple_of3A_409, %dma_wait3A_412] : memref<100000x128xf32, #tpu.memory_space<hbm>> -> memref<128x128xf32, #tpu.memory_space<hbm>>
    tpu.wait_dma2 semaphore(%arg23 : memref<!tpu.dma_semaphore, #tpu.memory_space<semaphore_mem>>) src(%arg9 : memref<128x128xf32, #tpu.memory_space<vmem>>) dst(%dma_wait3A_413 : memref<128x128xf32, #tpu.memory_space<hbm>>)
    %min3A_414 = arith.constant 23 : i32
    %min3A_415 = arith.minsi %min3A_414, %select_n3A : i32
    %add3A_416 = arith.addi %add3A_4, %min3A_415 : i32
    %eq3A_417 = arith.constant 781 : i32
    %eq3A_418 = arith.cmpi eq, %add3A_416, %eq3A_417 : i32
    %mul3A_419 = arith.constant 128 : i32
    %mul3A_420 = arith.muli %add3A_416, %mul3A_419 : i32
    %jit3A_421 = arith.constant 99872 : i32
    %select_n3A_422 = arith.select %eq3A_418, %jit3A_421, %mul3A_420 : i32
    %multiple_of3A_423 = tpu.assume_multiple %select_n3A_422, 8 : i32
    %sub3A_424 = arith.subi %multiple_of3A_423, %multiple_of3A : i32
    %multiple_of3A_425 = tpu.assume_multiple %sub3A_424, 8 : i32
    %dma_start3A_426 = tpu.memref_slice %arg5[%multiple_of3A_425] : memref<3200xi32, #tpu.memory_space<vmem>> -> memref<128xi32, #tpu.memory_space<vmem>>
    %dma_start3A_427 = arith.constant 0 : i32
    %dma_start3A_428 = arith.constant 0 : i32
    %dma_start3A_429 = tpu.memref_slice %arg6[%dma_start3A_427, %dma_start3A_428] : memref<1024x128xf32, #tpu.memory_space<vmem_shared>> -> memref<1024x128xf32, #tpu.memory_space<vmem_shared>>
    tpu.enqueue_indirect_dma source(%dma_start3A_429 : memref<1024x128xf32, #tpu.memory_space<vmem_shared>>) target(%arg9 : memref<128x128xf32, #tpu.memory_space<vmem>>) offsets(%dma_start3A_426 : memref<128xi32, #tpu.memory_space<vmem>>) semaphore(%arg16 : memref<!tpu.dma_semaphore, #tpu.memory_space<semaphore_mem>>)
    %min3A_430 = arith.constant 21 : i32
    %min3A_431 = arith.minsi %min3A_430, %select_n3A : i32
    %add3A_432 = arith.addi %add3A_4, %min3A_431 : i32
    %eq3A_433 = arith.constant 781 : i32
    %eq3A_434 = arith.cmpi eq, %add3A_432, %eq3A_433 : i32
    %mul3A_435 = arith.constant 128 : i32
    %mul3A_436 = arith.muli %add3A_432, %mul3A_435 : i32
    %jit3A_437 = arith.constant 99872 : i32
    %select_n3A_438 = arith.select %eq3A_434, %jit3A_437, %mul3A_436 : i32
    %multiple_of3A_439 = tpu.assume_multiple %select_n3A_438, 8 : i32
    %sub3A_440 = arith.subi %multiple_of3A_439, %multiple_of3A : i32
    %multiple_of3A_441 = tpu.assume_multiple %sub3A_440, 8 : i32
    %dma_wait3A_442 = tpu.memref_slice %arg5[%multiple_of3A_441] : memref<3200xi32, #tpu.memory_space<vmem>> -> memref<128xi32, #tpu.memory_space<vmem>>
    %dma_wait3A_443 = arith.constant 0 : i32
    %dma_wait3A_444 = arith.constant 0 : i32
    %dma_wait3A_445 = tpu.memref_slice %arg6[%dma_wait3A_443, %dma_wait3A_444] : memref<1024x128xf32, #tpu.memory_space<vmem_shared>> -> memref<1024x128xf32, #tpu.memory_space<vmem_shared>>
    tpu.wait_indirect_dma semaphore(%arg14 : memref<!tpu.dma_semaphore, #tpu.memory_space<semaphore_mem>>) src(%dma_wait3A_445 : memref<1024x128xf32, #tpu.memory_space<vmem_shared>>) dst(%arg7 : memref<128x128xf32, #tpu.memory_space<vmem>>)
    %min3A_446 = arith.constant 21 : i32
    %min3A_447 = arith.minsi %min3A_446, %select_n3A : i32
    %add3A_448 = arith.addi %add3A_4, %min3A_447 : i32
    %eq3A_449 = arith.constant 781 : i32
    %eq3A_450 = arith.cmpi eq, %add3A_448, %eq3A_449 : i32
    %mul3A_451 = arith.constant 128 : i32
    %mul3A_452 = arith.muli %add3A_448, %mul3A_451 : i32
    %jit3A_453 = arith.constant 99872 : i32
    %select_n3A_454 = arith.select %eq3A_450, %jit3A_453, %mul3A_452 : i32
    %multiple_of3A_455 = tpu.assume_multiple %select_n3A_454, 8 : i32
    %dma_start3A_456 = arith.constant 0 : i32
    %dma_start3A_457 = tpu.memref_slice %arg4[%multiple_of3A_455, %dma_start3A_456] : memref<100000x128xf32, #tpu.memory_space<hbm>> -> memref<128x128xf32, #tpu.memory_space<hbm>>
    %dma_start3A_458 = arith.constant 0 : i32
    %dma_start3A_459 = tpu.memref_slice %arg4[%multiple_of3A_455, %dma_start3A_458] : memref<100000x128xf32, #tpu.memory_space<hbm>> -> memref<128x128xf32, #tpu.memory_space<hbm>>
    tpu.enqueue_dma source(%arg7 : memref<128x128xf32, #tpu.memory_space<vmem>>) target(%dma_start3A_459 : memref<128x128xf32, #tpu.memory_space<hbm>>) target_semaphore(%arg21 : memref<!tpu.dma_semaphore, #tpu.memory_space<semaphore_mem>>)
    %min3A_460 = arith.constant 17 : i32
    %min3A_461 = arith.minsi %min3A_460, %select_n3A : i32
    %add3A_462 = arith.addi %add3A_4, %min3A_461 : i32
    %eq3A_463 = arith.constant 781 : i32
    %eq3A_464 = arith.cmpi eq, %add3A_462, %eq3A_463 : i32
    %mul3A_465 = arith.constant 128 : i32
    %mul3A_466 = arith.muli %add3A_462, %mul3A_465 : i32
    %jit3A_467 = arith.constant 99872 : i32
    %select_n3A_468 = arith.select %eq3A_464, %jit3A_467, %mul3A_466 : i32
    %multiple_of3A_469 = tpu.assume_multiple %select_n3A_468, 8 : i32
    %dma_wait3A_470 = arith.constant 0 : i32
    %dma_wait3A_471 = tpu.memref_slice %arg4[%multiple_of3A_469, %dma_wait3A_470] : memref<100000x128xf32, #tpu.memory_space<hbm>> -> memref<128x128xf32, #tpu.memory_space<hbm>>
    %dma_wait3A_472 = arith.constant 0 : i32
    %dma_wait3A_473 = tpu.memref_slice %arg4[%multiple_of3A_469, %dma_wait3A_472] : memref<100000x128xf32, #tpu.memory_space<hbm>> -> memref<128x128xf32, #tpu.memory_space<hbm>>
    tpu.wait_dma2 semaphore(%arg24 : memref<!tpu.dma_semaphore, #tpu.memory_space<semaphore_mem>>) src(%arg10 : memref<128x128xf32, #tpu.memory_space<vmem>>) dst(%dma_wait3A_473 : memref<128x128xf32, #tpu.memory_space<hbm>>)
    %min3A_474 = arith.constant 24 : i32
    %min3A_475 = arith.minsi %min3A_474, %select_n3A : i32
    %add3A_476 = arith.addi %add3A_4, %min3A_475 : i32
    %eq3A_477 = arith.constant 781 : i32
    %eq3A_478 = arith.cmpi eq, %add3A_476, %eq3A_477 : i32
    %mul3A_479 = arith.constant 128 : i32
    %mul3A_480 = arith.muli %add3A_476, %mul3A_479 : i32
    %jit3A_481 = arith.constant 99872 : i32
    %select_n3A_482 = arith.select %eq3A_478, %jit3A_481, %mul3A_480 : i32
    %multiple_of3A_483 = tpu.assume_multiple %select_n3A_482, 8 : i32
    %sub3A_484 = arith.subi %multiple_of3A_483, %multiple_of3A : i32
    %multiple_of3A_485 = tpu.assume_multiple %sub3A_484, 8 : i32
    %dma_start3A_486 = tpu.memref_slice %arg5[%multiple_of3A_485] : memref<3200xi32, #tpu.memory_space<vmem>> -> memref<128xi32, #tpu.memory_space<vmem>>
    %dma_start3A_487 = arith.constant 0 : i32
    %dma_start3A_488 = arith.constant 0 : i32
    %dma_start3A_489 = tpu.memref_slice %arg6[%dma_start3A_487, %dma_start3A_488] : memref<1024x128xf32, #tpu.memory_space<vmem_shared>> -> memref<1024x128xf32, #tpu.memory_space<vmem_shared>>
    tpu.enqueue_indirect_dma source(%dma_start3A_489 : memref<1024x128xf32, #tpu.memory_space<vmem_shared>>) target(%arg10 : memref<128x128xf32, #tpu.memory_space<vmem>>) offsets(%dma_start3A_486 : memref<128xi32, #tpu.memory_space<vmem>>) semaphore(%arg17 : memref<!tpu.dma_semaphore, #tpu.memory_space<semaphore_mem>>)
    %min3A_490 = arith.constant 22 : i32
    %min3A_491 = arith.minsi %min3A_490, %select_n3A : i32
    %add3A_492 = arith.addi %add3A_4, %min3A_491 : i32
    %eq3A_493 = arith.constant 781 : i32
    %eq3A_494 = arith.cmpi eq, %add3A_492, %eq3A_493 : i32
    %mul3A_495 = arith.constant 128 : i32
    %mul3A_496 = arith.muli %add3A_492, %mul3A_495 : i32
    %jit3A_497 = arith.constant 99872 : i32
    %select_n3A_498 = arith.select %eq3A_494, %jit3A_497, %mul3A_496 : i32
    %multiple_of3A_499 = tpu.assume_multiple %select_n3A_498, 8 : i32
    %sub3A_500 = arith.subi %multiple_of3A_499, %multiple_of3A : i32
    %multiple_of3A_501 = tpu.assume_multiple %sub3A_500, 8 : i32
    %dma_wait3A_502 = tpu.memref_slice %arg5[%multiple_of3A_501] : memref<3200xi32, #tpu.memory_space<vmem>> -> memref<128xi32, #tpu.memory_space<vmem>>
    %dma_wait3A_503 = arith.constant 0 : i32
    %dma_wait3A_504 = arith.constant 0 : i32
    %dma_wait3A_505 = tpu.memref_slice %arg6[%dma_wait3A_503, %dma_wait3A_504] : memref<1024x128xf32, #tpu.memory_space<vmem_shared>> -> memref<1024x128xf32, #tpu.memory_space<vmem_shared>>
    tpu.wait_indirect_dma semaphore(%arg15 : memref<!tpu.dma_semaphore, #tpu.memory_space<semaphore_mem>>) src(%dma_wait3A_505 : memref<1024x128xf32, #tpu.memory_space<vmem_shared>>) dst(%arg8 : memref<128x128xf32, #tpu.memory_space<vmem>>)
    %min3A_506 = arith.constant 22 : i32
    %min3A_507 = arith.minsi %min3A_506, %select_n3A : i32
    %add3A_508 = arith.addi %add3A_4, %min3A_507 : i32
    %eq3A_509 = arith.constant 781 : i32
    %eq3A_510 = arith.cmpi eq, %add3A_508, %eq3A_509 : i32
    %mul3A_511 = arith.constant 128 : i32
    %mul3A_512 = arith.muli %add3A_508, %mul3A_511 : i32
    %jit3A_513 = arith.constant 99872 : i32
    %select_n3A_514 = arith.select %eq3A_510, %jit3A_513, %mul3A_512 : i32
    %multiple_of3A_515 = tpu.assume_multiple %select_n3A_514, 8 : i32
    %dma_start3A_516 = arith.constant 0 : i32
    %dma_start3A_517 = tpu.memref_slice %arg4[%multiple_of3A_515, %dma_start3A_516] : memref<100000x128xf32, #tpu.memory_space<hbm>> -> memref<128x128xf32, #tpu.memory_space<hbm>>
    %dma_start3A_518 = arith.constant 0 : i32
    %dma_start3A_519 = tpu.memref_slice %arg4[%multiple_of3A_515, %dma_start3A_518] : memref<100000x128xf32, #tpu.memory_space<hbm>> -> memref<128x128xf32, #tpu.memory_space<hbm>>
    tpu.enqueue_dma source(%arg8 : memref<128x128xf32, #tpu.memory_space<vmem>>) target(%dma_start3A_519 : memref<128x128xf32, #tpu.memory_space<hbm>>) target_semaphore(%arg22 : memref<!tpu.dma_semaphore, #tpu.memory_space<semaphore_mem>>)
    %min3A_520 = arith.constant 23 : i32
    %min3A_521 = arith.minsi %min3A_520, %select_n3A : i32
    %add3A_522 = arith.addi %add3A_4, %min3A_521 : i32
    %eq3A_523 = arith.constant 781 : i32
    %eq3A_524 = arith.cmpi eq, %add3A_522, %eq3A_523 : i32
    %mul3A_525 = arith.constant 128 : i32
    %mul3A_526 = arith.muli %add3A_522, %mul3A_525 : i32
    %jit3A_527 = arith.constant 99872 : i32
    %select_n3A_528 = arith.select %eq3A_524, %jit3A_527, %mul3A_526 : i32
    %multiple_of3A_529 = tpu.assume_multiple %select_n3A_528, 8 : i32
    %sub3A_530 = arith.subi %multiple_of3A_529, %multiple_of3A : i32
    %multiple_of3A_531 = tpu.assume_multiple %sub3A_530, 8 : i32
    %dma_wait3A_532 = tpu.memref_slice %arg5[%multiple_of3A_531] : memref<3200xi32, #tpu.memory_space<vmem>> -> memref<128xi32, #tpu.memory_space<vmem>>
    %dma_wait3A_533 = arith.constant 0 : i32
    %dma_wait3A_534 = arith.constant 0 : i32
    %dma_wait3A_535 = tpu.memref_slice %arg6[%dma_wait3A_533, %dma_wait3A_534] : memref<1024x128xf32, #tpu.memory_space<vmem_shared>> -> memref<1024x128xf32, #tpu.memory_space<vmem_shared>>
    tpu.wait_indirect_dma semaphore(%arg16 : memref<!tpu.dma_semaphore, #tpu.memory_space<semaphore_mem>>) src(%dma_wait3A_535 : memref<1024x128xf32, #tpu.memory_space<vmem_shared>>) dst(%arg9 : memref<128x128xf32, #tpu.memory_space<vmem>>)
    %min3A_536 = arith.constant 23 : i32
    %min3A_537 = arith.minsi %min3A_536, %select_n3A : i32
    %add3A_538 = arith.addi %add3A_4, %min3A_537 : i32
    %eq3A_539 = arith.constant 781 : i32
    %eq3A_540 = arith.cmpi eq, %add3A_538, %eq3A_539 : i32
    %mul3A_541 = arith.constant 128 : i32
    %mul3A_542 = arith.muli %add3A_538, %mul3A_541 : i32
    %jit3A_543 = arith.constant 99872 : i32
    %select_n3A_544 = arith.select %eq3A_540, %jit3A_543, %mul3A_542 : i32
    %multiple_of3A_545 = tpu.assume_multiple %select_n3A_544, 8 : i32
    %dma_start3A_546 = arith.constant 0 : i32
    %dma_start3A_547 = tpu.memref_slice %arg4[%multiple_of3A_545, %dma_start3A_546] : memref<100000x128xf32, #tpu.memory_space<hbm>> -> memref<128x128xf32, #tpu.memory_space<hbm>>
    %dma_start3A_548 = arith.constant 0 : i32
    %dma_start3A_549 = tpu.memref_slice %arg4[%multiple_of3A_545, %dma_start3A_548] : memref<100000x128xf32, #tpu.memory_space<hbm>> -> memref<128x128xf32, #tpu.memory_space<hbm>>
    tpu.enqueue_dma source(%arg9 : memref<128x128xf32, #tpu.memory_space<vmem>>) target(%dma_start3A_549 : memref<128x128xf32, #tpu.memory_space<hbm>>) target_semaphore(%arg23 : memref<!tpu.dma_semaphore, #tpu.memory_space<semaphore_mem>>)
    %min3A_550 = arith.constant 24 : i32
    %min3A_551 = arith.minsi %min3A_550, %select_n3A : i32
    %add3A_552 = arith.addi %add3A_4, %min3A_551 : i32
    %eq3A_553 = arith.constant 781 : i32
    %eq3A_554 = arith.cmpi eq, %add3A_552, %eq3A_553 : i32
    %mul3A_555 = arith.constant 128 : i32
    %mul3A_556 = arith.muli %add3A_552, %mul3A_555 : i32
    %jit3A_557 = arith.constant 99872 : i32
    %select_n3A_558 = arith.select %eq3A_554, %jit3A_557, %mul3A_556 : i32
    %multiple_of3A_559 = tpu.assume_multiple %select_n3A_558, 8 : i32
    %sub3A_560 = arith.subi %multiple_of3A_559, %multiple_of3A : i32
    %multiple_of3A_561 = tpu.assume_multiple %sub3A_560, 8 : i32
    %dma_wait3A_562 = tpu.memref_slice %arg5[%multiple_of3A_561] : memref<3200xi32, #tpu.memory_space<vmem>> -> memref<128xi32, #tpu.memory_space<vmem>>
    %dma_wait3A_563 = arith.constant 0 : i32
    %dma_wait3A_564 = arith.constant 0 : i32
    %dma_wait3A_565 = tpu.memref_slice %arg6[%dma_wait3A_563, %dma_wait3A_564] : memref<1024x128xf32, #tpu.memory_space<vmem_shared>> -> memref<1024x128xf32, #tpu.memory_space<vmem_shared>>
    tpu.wait_indirect_dma semaphore(%arg17 : memref<!tpu.dma_semaphore, #tpu.memory_space<semaphore_mem>>) src(%dma_wait3A_565 : memref<1024x128xf32, #tpu.memory_space<vmem_shared>>) dst(%arg10 : memref<128x128xf32, #tpu.memory_space<vmem>>)
    %min3A_566 = arith.constant 24 : i32
    %min3A_567 = arith.minsi %min3A_566, %select_n3A : i32
    %add3A_568 = arith.addi %add3A_4, %min3A_567 : i32
    %eq3A_569 = arith.constant 781 : i32
    %eq3A_570 = arith.cmpi eq, %add3A_568, %eq3A_569 : i32
    %mul3A_571 = arith.constant 128 : i32
    %mul3A_572 = arith.muli %add3A_568, %mul3A_571 : i32
    %jit3A_573 = arith.constant 99872 : i32
    %select_n3A_574 = arith.select %eq3A_570, %jit3A_573, %mul3A_572 : i32
    %multiple_of3A_575 = tpu.assume_multiple %select_n3A_574, 8 : i32
    %dma_start3A_576 = arith.constant 0 : i32
    %dma_start3A_577 = tpu.memref_slice %arg4[%multiple_of3A_575, %dma_start3A_576] : memref<100000x128xf32, #tpu.memory_space<hbm>> -> memref<128x128xf32, #tpu.memory_space<hbm>>
    %dma_start3A_578 = arith.constant 0 : i32
    %dma_start3A_579 = tpu.memref_slice %arg4[%multiple_of3A_575, %dma_start3A_578] : memref<100000x128xf32, #tpu.memory_space<hbm>> -> memref<128x128xf32, #tpu.memory_space<hbm>>
    tpu.enqueue_dma source(%arg10 : memref<128x128xf32, #tpu.memory_space<vmem>>) target(%dma_start3A_579 : memref<128x128xf32, #tpu.memory_space<hbm>>) target_semaphore(%arg24 : memref<!tpu.dma_semaphore, #tpu.memory_space<semaphore_mem>>)
    %min3A_580 = arith.constant 18 : i32
    %min3A_581 = arith.minsi %min3A_580, %select_n3A : i32
    %add3A_582 = arith.addi %add3A_4, %min3A_581 : i32
    %eq3A_583 = arith.constant 781 : i32
    %eq3A_584 = arith.cmpi eq, %add3A_582, %eq3A_583 : i32
    %mul3A_585 = arith.constant 128 : i32
    %mul3A_586 = arith.muli %add3A_582, %mul3A_585 : i32
    %jit3A_587 = arith.constant 99872 : i32
    %select_n3A_588 = arith.select %eq3A_584, %jit3A_587, %mul3A_586 : i32
    %multiple_of3A_589 = tpu.assume_multiple %select_n3A_588, 8 : i32
    %dma_wait3A_590 = arith.constant 0 : i32
    %dma_wait3A_591 = tpu.memref_slice %arg4[%multiple_of3A_589, %dma_wait3A_590] : memref<100000x128xf32, #tpu.memory_space<hbm>> -> memref<128x128xf32, #tpu.memory_space<hbm>>
    %dma_wait3A_592 = arith.constant 0 : i32
    %dma_wait3A_593 = tpu.memref_slice %arg4[%multiple_of3A_589, %dma_wait3A_592] : memref<100000x128xf32, #tpu.memory_space<hbm>> -> memref<128x128xf32, #tpu.memory_space<hbm>>
    tpu.wait_dma2 semaphore(%arg25 : memref<!tpu.dma_semaphore, #tpu.memory_space<semaphore_mem>>) src(%arg11 : memref<128x128xf32, #tpu.memory_space<vmem>>) dst(%dma_wait3A_593 : memref<128x128xf32, #tpu.memory_space<hbm>>)
    %min3A_594 = arith.constant 19 : i32
    %min3A_595 = arith.minsi %min3A_594, %select_n3A : i32
    %add3A_596 = arith.addi %add3A_4, %min3A_595 : i32
    %eq3A_597 = arith.constant 781 : i32
    %eq3A_598 = arith.cmpi eq, %add3A_596, %eq3A_597 : i32
    %mul3A_599 = arith.constant 128 : i32
    %mul3A_600 = arith.muli %add3A_596, %mul3A_599 : i32
    %jit3A_601 = arith.constant 99872 : i32
    %select_n3A_602 = arith.select %eq3A_598, %jit3A_601, %mul3A_600 : i32
    %multiple_of3A_603 = tpu.assume_multiple %select_n3A_602, 8 : i32
    %dma_wait3A_604 = arith.constant 0 : i32
    %dma_wait3A_605 = tpu.memref_slice %arg4[%multiple_of3A_603, %dma_wait3A_604] : memref<100000x128xf32, #tpu.memory_space<hbm>> -> memref<128x128xf32, #tpu.memory_space<hbm>>
    %dma_wait3A_606 = arith.constant 0 : i32
    %dma_wait3A_607 = tpu.memref_slice %arg4[%multiple_of3A_603, %dma_wait3A_606] : memref<100000x128xf32, #tpu.memory_space<hbm>> -> memref<128x128xf32, #tpu.memory_space<hbm>>
    tpu.wait_dma2 semaphore(%arg26 : memref<!tpu.dma_semaphore, #tpu.memory_space<semaphore_mem>>) src(%arg12 : memref<128x128xf32, #tpu.memory_space<vmem>>) dst(%dma_wait3A_607 : memref<128x128xf32, #tpu.memory_space<hbm>>)
    %min3A_608 = arith.constant 20 : i32
    %min3A_609 = arith.minsi %min3A_608, %select_n3A : i32
    %add3A_610 = arith.addi %add3A_4, %min3A_609 : i32
    %eq3A_611 = arith.constant 781 : i32
    %eq3A_612 = arith.cmpi eq, %add3A_610, %eq3A_611 : i32
    %mul3A_613 = arith.constant 128 : i32
    %mul3A_614 = arith.muli %add3A_610, %mul3A_613 : i32
    %jit3A_615 = arith.constant 99872 : i32
    %select_n3A_616 = arith.select %eq3A_612, %jit3A_615, %mul3A_614 : i32
    %multiple_of3A_617 = tpu.assume_multiple %select_n3A_616, 8 : i32
    %dma_wait3A_618 = arith.constant 0 : i32
    %dma_wait3A_619 = tpu.memref_slice %arg4[%multiple_of3A_617, %dma_wait3A_618] : memref<100000x128xf32, #tpu.memory_space<hbm>> -> memref<128x128xf32, #tpu.memory_space<hbm>>
    %dma_wait3A_620 = arith.constant 0 : i32
    %dma_wait3A_621 = tpu.memref_slice %arg4[%multiple_of3A_617, %dma_wait3A_620] : memref<100000x128xf32, #tpu.memory_space<hbm>> -> memref<128x128xf32, #tpu.memory_space<hbm>>
    tpu.wait_dma2 semaphore(%arg27 : memref<!tpu.dma_semaphore, #tpu.memory_space<semaphore_mem>>) src(%arg13 : memref<128x128xf32, #tpu.memory_space<vmem>>) dst(%dma_wait3A_621 : memref<128x128xf32, #tpu.memory_space<hbm>>)
    %min3A_622 = arith.constant 21 : i32
    %min3A_623 = arith.minsi %min3A_622, %select_n3A : i32
    %add3A_624 = arith.addi %add3A_4, %min3A_623 : i32
    %eq3A_625 = arith.constant 781 : i32
    %eq3A_626 = arith.cmpi eq, %add3A_624, %eq3A_625 : i32
    %mul3A_627 = arith.constant 128 : i32
    %mul3A_628 = arith.muli %add3A_624, %mul3A_627 : i32
    %jit3A_629 = arith.constant 99872 : i32
    %select_n3A_630 = arith.select %eq3A_626, %jit3A_629, %mul3A_628 : i32
    %multiple_of3A_631 = tpu.assume_multiple %select_n3A_630, 8 : i32
    %dma_wait3A_632 = arith.constant 0 : i32
    %dma_wait3A_633 = tpu.memref_slice %arg4[%multiple_of3A_631, %dma_wait3A_632] : memref<100000x128xf32, #tpu.memory_space<hbm>> -> memref<128x128xf32, #tpu.memory_space<hbm>>
    %dma_wait3A_634 = arith.constant 0 : i32
    %dma_wait3A_635 = tpu.memref_slice %arg4[%multiple_of3A_631, %dma_wait3A_634] : memref<100000x128xf32, #tpu.memory_space<hbm>> -> memref<128x128xf32, #tpu.memory_space<hbm>>
    tpu.wait_dma2 semaphore(%arg21 : memref<!tpu.dma_semaphore, #tpu.memory_space<semaphore_mem>>) src(%arg7 : memref<128x128xf32, #tpu.memory_space<vmem>>) dst(%dma_wait3A_635 : memref<128x128xf32, #tpu.memory_space<hbm>>)
    %min3A_636 = arith.constant 22 : i32
    %min3A_637 = arith.minsi %min3A_636, %select_n3A : i32
    %add3A_638 = arith.addi %add3A_4, %min3A_637 : i32
    %eq3A_639 = arith.constant 781 : i32
    %eq3A_640 = arith.cmpi eq, %add3A_638, %eq3A_639 : i32
    %mul3A_641 = arith.constant 128 : i32
    %mul3A_642 = arith.muli %add3A_638, %mul3A_641 : i32
    %jit3A_643 = arith.constant 99872 : i32
    %select_n3A_644 = arith.select %eq3A_640, %jit3A_643, %mul3A_642 : i32
    %multiple_of3A_645 = tpu.assume_multiple %select_n3A_644, 8 : i32
    %dma_wait3A_646 = arith.constant 0 : i32
    %dma_wait3A_647 = tpu.memref_slice %arg4[%multiple_of3A_645, %dma_wait3A_646] : memref<100000x128xf32, #tpu.memory_space<hbm>> -> memref<128x128xf32, #tpu.memory_space<hbm>>
    %dma_wait3A_648 = arith.constant 0 : i32
    %dma_wait3A_649 = tpu.memref_slice %arg4[%multiple_of3A_645, %dma_wait3A_648] : memref<100000x128xf32, #tpu.memory_space<hbm>> -> memref<128x128xf32, #tpu.memory_space<hbm>>
    tpu.wait_dma2 semaphore(%arg22 : memref<!tpu.dma_semaphore, #tpu.memory_space<semaphore_mem>>) src(%arg8 : memref<128x128xf32, #tpu.memory_space<vmem>>) dst(%dma_wait3A_649 : memref<128x128xf32, #tpu.memory_space<hbm>>)
    %min3A_650 = arith.constant 23 : i32
    %min3A_651 = arith.minsi %min3A_650, %select_n3A : i32
    %add3A_652 = arith.addi %add3A_4, %min3A_651 : i32
    %eq3A_653 = arith.constant 781 : i32
    %eq3A_654 = arith.cmpi eq, %add3A_652, %eq3A_653 : i32
    %mul3A_655 = arith.constant 128 : i32
    %mul3A_656 = arith.muli %add3A_652, %mul3A_655 : i32
    %jit3A_657 = arith.constant 99872 : i32
    %select_n3A_658 = arith.select %eq3A_654, %jit3A_657, %mul3A_656 : i32
    %multiple_of3A_659 = tpu.assume_multiple %select_n3A_658, 8 : i32
    %dma_wait3A_660 = arith.constant 0 : i32
    %dma_wait3A_661 = tpu.memref_slice %arg4[%multiple_of3A_659, %dma_wait3A_660] : memref<100000x128xf32, #tpu.memory_space<hbm>> -> memref<128x128xf32, #tpu.memory_space<hbm>>
    %dma_wait3A_662 = arith.constant 0 : i32
    %dma_wait3A_663 = tpu.memref_slice %arg4[%multiple_of3A_659, %dma_wait3A_662] : memref<100000x128xf32, #tpu.memory_space<hbm>> -> memref<128x128xf32, #tpu.memory_space<hbm>>
    tpu.wait_dma2 semaphore(%arg23 : memref<!tpu.dma_semaphore, #tpu.memory_space<semaphore_mem>>) src(%arg9 : memref<128x128xf32, #tpu.memory_space<vmem>>) dst(%dma_wait3A_663 : memref<128x128xf32, #tpu.memory_space<hbm>>)
    %min3A_664 = arith.constant 24 : i32
    %min3A_665 = arith.minsi %min3A_664, %select_n3A : i32
    %add3A_666 = arith.addi %add3A_4, %min3A_665 : i32
    %eq3A_667 = arith.constant 781 : i32
    %eq3A_668 = arith.cmpi eq, %add3A_666, %eq3A_667 : i32
    %mul3A_669 = arith.constant 128 : i32
    %mul3A_670 = arith.muli %add3A_666, %mul3A_669 : i32
    %jit3A_671 = arith.constant 99872 : i32
    %select_n3A_672 = arith.select %eq3A_668, %jit3A_671, %mul3A_670 : i32
    %multiple_of3A_673 = tpu.assume_multiple %select_n3A_672, 8 : i32
    %dma_wait3A_674 = arith.constant 0 : i32
    %dma_wait3A_675 = tpu.memref_slice %arg4[%multiple_of3A_673, %dma_wait3A_674] : memref<100000x128xf32, #tpu.memory_space<hbm>> -> memref<128x128xf32, #tpu.memory_space<hbm>>
    %dma_wait3A_676 = arith.constant 0 : i32
    %dma_wait3A_677 = tpu.memref_slice %arg4[%multiple_of3A_673, %dma_wait3A_676] : memref<100000x128xf32, #tpu.memory_space<hbm>> -> memref<128x128xf32, #tpu.memory_space<hbm>>
    tpu.wait_dma2 semaphore(%arg24 : memref<!tpu.dma_semaphore, #tpu.memory_space<semaphore_mem>>) src(%arg10 : memref<128x128xf32, #tpu.memory_space<vmem>>) dst(%dma_wait3A_677 : memref<128x128xf32, #tpu.memory_space<hbm>>)
    return
  }
}

</mosaic_0001>

<sc_bundles>
// kernel: kernel.3.cloned.1.call-start
scs
__scs_entry_jumppad:
0x0: {  	(pc) =	sbr.rel $0x88, $3  }
0x1: {  	(tag) =	ssettag $0x0;
	lr =	simm.s32 $0x1  }
0x2: {  	[smem:$0x3F9F] =	sst lr;
	_ =	strace $0xD0000000  }
0x3: {  	_ = 	snop  }
0x4: {  	_ = 	snop  }
0x5: {  	_ = 	snop  }
0x6: {  	_ = 	snop  }
0x7: {  	_ = 	snop  }
__scs_overlays_trampoline_lowered:
0x8: {  	[smem:$0x3FAE] =	sst s0  }
0x9: {  	[smem:$0x3FAF] =	sst s1  }
0xa: {  	[smem:$0x3FB0] =	sst s2  }
0xb: {  	[smem:$0x3FB1] =	sst s3  }
0xc: {  	[smem:$0x3FB2] =	sst s4  }
0xd: {  	[smem:$0x3FB3] =	sst s5  }
0xe: {  	[smem:$0x3FB4] =	sst s6  }
0xf: {  	[smem:$0x3FB5] =	sst s7  }
0x10: {  	[smem:$0x3FB6] =	sst s8  }
0x11: {  	[smem:$0x3FB7] =	sst s9;
	s0 =	simm.s32 @!p0 $0x0  }
0x12: {  	s1 =	sld [smem:$0x3F9D];
	s0 =	simm.s32 @p0 $0x1  }
0x13: {  	[smem:$0x3FB8] =	sst s0;
	s0 =	simm.s32 @!p1 $0x0  }
0x14: {  	s2 =	sld [smem:$0x3F9C];
	s0 =	simm.s32 @p1 $0x1  }
0x15: {  	[smem:$0x3FB9] =	sst s0;
	s0 =	simm.s32 @!p2 $0x0  }
0x16: {  	s3 =	sld [smem:$0x3FDB];
	s0 =	simm.s32 @p2 $0x1  }
0x17: {  	s4 =	simm.s32 $0x1BF5;
	[smem:$0x3FBB] =	sst s0  }
0x18: {  	s0 =	sld [smem:$0x3F9E];
	_ =	swait.ge [sflag:s4], $0x0  }
0x19: {  	s7 =	sld [smem:$0x3F9F]  }
0x1a: {  	s8 =	sadd.s32 $0xFFFFE003, lr  }
0x1b: {  	s9 =	sadd.s32 $0xFFFFFEF7, lr;
	s5 =	simm.s32 $0xFFFFFFFF;
	p2 =	slt.u32 s8, $0xFFFFF086  }
0x1c: {  	p1 =	slt.u32 s9, $0xF7A;
	s5 =	simm.s32 @!p2 $0x0  }
0x1d: {  	s5 =	simm.s32 @p1 $0x1;
	p0 =	seq.s32 s7, s2  }
0x1e: {  	s7 =	smul.u32 @!p0 $0xF7A, s2;
	p2 =	seq.s32 @!p0 s5, $0x0  }
0x1f: {  	s9 =	smul.u32 $0xF7A, s1;
	s8 =	simm.s32 @!p0 $0x1BF5;
	p2 =	por !p2, p0  }
0x20: {  	[sflag:s8] =	ssyncset.s32 @!p0 $0xFFFFF086;
	s6 =	sadd.s32 @!p0 s3, s7;
	s7 =	simm.s32 @!p0 $0x108  }
0x21: {  	s3 =	sadd.s32 s3, s9;
	s6 =	sadd.s32 @!p0 $0x88, s6;
	s7 =	simm.s32 @p2 $0x1082  }
0x22: {  	[simem:s7], [sflag:s8] =	dma.local @!p0 [hbm:s6], $0xF7A  }
0x23: {  	s9 =	sor.u32 $0xD0000000, s2;
	s6 =	simm.s32 $0x108;
	_ =	swait.ge @!p0 [sflag:s8], $0x0  }
0x24: {  	s3 =	sadd.s32 $0x88, s3;
	s6 =	simm.s32 @!p1 $0x1082;
	[sflag:s4] =	ssyncset.s32 $0xFFFFF086  }
0x25: {  	[simem:s6], [sflag:s4] =	dma.local [hbm:s3], $0xF7A  }
0x26: {  	[smem:$0x3F9F] =	sst s1;
	(tag) =	ssettag s2;
	_ =	strace s9  }
0x27: {  	s1 =	sld [smem:$0x3FAF]  }
0x28: {  	s2 =	sld [smem:$0x3FB0]  }
0x29: {  	s4 =	sld [smem:$0x3FB2]  }
0x2a: {  	p0 =	seq.s32 s5, $0x0;
	s5 =	sld [smem:$0x3FB3]  }
0x2b: {  	s6 =	sld [smem:$0x3FB4]  }
0x2c: {  	s7 =	sld [smem:$0x3FB5]  }
0x2d: {  	s3 =	simm.s32 $0x108;
	s8 =	sld [smem:$0x3FB6]  }
0x2e: {  	s3 =	simm.s32 @!p0 $0x1082;
	s9 =	sld [smem:$0x3FB7]  }
0x2f: {  	lr =	sadd.s32 s0, s3;
	s0 =	sld [smem:$0x3FAE]  }
0x30: {  	s3 =	sld [smem:$0x3FB1]  }
0x31: {  	[smem:$0x3FBA] =	sst s10  }
0x32: {  	s10 =	sld [smem:$0x3FB8];
	_ =	sdelay $0x3  }
0x33: {  	p0 =	seq.s32 s10, $0x1;
	s10 =	sld [smem:$0x3FBA];
	_ =	sdelay $0x3  }
0x34: {  	[smem:$0x3FBA] =	sst s10  }
0x35: {  	s10 =	sld [smem:$0x3FB9];
	_ =	sdelay $0x3  }
0x36: {  	p1 =	seq.s32 s10, $0x1;
	s10 =	sld [smem:$0x3FBA];
	_ =	sdelay $0x3  }
0x37: {  	[smem:$0x3FBA] =	sst s10  }
0x38: {  	s10 =	sld [smem:$0x3FBB]  }
0x39: {  	_ = 	snop;
	(pc) =	sbr.ind lr, $3  }
0x3a: {  	_ = 	snop  }
0x3b: {  	_ = 	snop  }
0x3c: {  	p2 =	seq.s32 s10, $0x1;
	s10 =	sld [smem:$0x3FBA]  }
0x3d: {  	_ =	shalt  }
0x3e: {  	_ =	shalt  }
0x3f: {  	_ =	shalt  }
0x40: {  	_ =	shalt  }
0x41: {  	_ =	shalt  }
0x42: {  	_ =	shalt  }
0x43: {  	_ =	shalt  }
0x44: {  	_ =	shalt  }
0x45: {  	_ =	shalt  }
0x46: {  	_ =	shalt  }
0x47: {  	_ =	shalt  }
0x48: {  	_ =	shalt  }
0x49: {  	_ =	shalt  }
0x4a: {  	_ =	shalt  }
0x4b: {  	_ =	shalt  }
0x4c: {  	_ =	shalt  }
0x4d: {  	_ =	shalt  }
0x4e: {  	_ =	shalt  }
0x4f: {  	_ =	shalt  }
0x50: {  	_ =	shalt  }
0x51: {  	_ =	shalt  }
0x52: {  	_ =	shalt  }
0x53: {  	_ =	shalt  }
0x54: {  	_ =	shalt  }
0x55: {  	_ =	shalt  }
0x56: {  	_ =	shalt  }
0x57: {  	_ =	shalt  }
0x58: {  	_ =	shalt  }
0x59: {  	_ =	shalt  }
0x5a: {  	_ =	shalt  }
0x5b: {  	_ =	shalt  }
0x5c: {  	_ =	shalt  }
0x5d: {  	_ =	shalt  }
0x5e: {  	_ =	shalt  }
0x5f: {  	_ =	shalt  }
0x60: {  	_ =	shalt  }
0x61: {  	_ =	shalt  }
0x62: {  	_ =	shalt  }
0x63: {  	_ =	shalt  }
0x64: {  	_ =	shalt  }
0x65: {  	_ =	shalt  }
0x66: {  	_ =	shalt  }
0x67: {  	_ =	shalt  }
0x68: {  	_ =	shalt  }
0x69: {  	_ =	shalt  }
0x6a: {  	_ =	shalt  }
0x6b: {  	_ =	shalt  }
0x6c: {  	_ =	shalt  }
0x6d: {  	_ =	shalt  }
0x6e: {  	_ =	shalt  }
0x6f: {  	_ =	shalt  }
0x70: {  	_ =	shalt  }
0x71: {  	_ =	shalt  }
0x72: {  	_ =	shalt  }
0x73: {  	_ =	shalt  }
0x74: {  	_ =	shalt  }
0x75: {  	_ =	shalt  }
0x76: {  	_ =	shalt  }
0x77: {  	_ =	shalt  }
0x78: {  	_ =	shalt  }
0x79: {  	_ =	shalt  }
0x7a: {  	_ =	shalt  }
0x7b: {  	_ =	shalt  }
0x7c: {  	_ =	shalt  }
0x7d: {  	_ =	shalt  }
0x7e: {  	_ =	shalt  }
0x7f: {  	_ =	shalt  }
0x80: {  	_ =	shalt  }
0x81: {  	_ =	shalt  }
0x82: {  	_ =	shalt  }
0x83: {  	_ =	shalt  }
0x84: {  	_ =	shalt  }
0x85: {  	_ =	shalt  }
0x86: {  	_ =	shalt  }
0x87: {  	_ =	shalt  }
.Lfunc_end0:
.L_simem_size_0:
called_computation_lowered:
.L_overlay_start_0:
0x88: {  	s2 =	sld [smem:$0x3FD9]  }
0x89: {  	s3 =	sld [smem:$0x3FFE];
	_ =	sdelay $0x1  }
0x8a: {  	s1 =	srdreg.scid  }
0x8b: {  	s0 =	sand.u32 $0x1, s1  }
0x8c: {  	s18 =	sshll.u32 s0, $0xA;
	s2 =	sadd.s32 s3, s2  }
0x8d: {  	s2 =	sadd.s32 s2, s18  }
0x8e: {  	[smem:$0x3FC6] =	sst s2  }
0x8f: {  	_ = 	snop  }
0x90: {  	s2 =	sld [smem:$0x3FC9]  }
0x91: {  	s19 =	sld [smem:$0x3FC8]  }
0x92: {  	s4 =	sld [smem:$0x3FD0];
	(tm) =	ssettm $0x1  }
0x93: {  	s5 =	sld [smem:$0x3FFB];
	_ =	sdelay $0x3  }
0x94: {  	_ =	strace s5  }
0x95: {  	s5 =	sld [smem:$0x3FFC];
	_ =	sdelay $0x3  }
0x96: {  	_ =	strace s5  }
0x97: {  	s5 =	sld [smem:$0x3FFD];
	_ =	sdelay $0x3  }
0x98: {  	_ =	strace s5  }
0x99: {  	_ =	strace $0x8FFFFFFF  }
0x9a: {  	s20 =	sld [smem:$0x3FDB];
	_ =	sdelay $0x1  }
0x9b: {  	s6 =	simm.s32 $_scs_section_size  }
0x9c: {  	s7 =	simm.s32 $_size__tile_overlayer_lowered;
	s8 =	simm.s32 $_tile_overlayer_lowered  }
0x9d: {  	s23 =	simm.s32 $0x1BFF;
	s22 =	sshll.u32 s8, $0x1;
	s5 =	sadd.s32 s6, s20  }
0x9e: {  	s9 =	simm.s32 $0x0;
	s21 =	sshll.u32 s7, $0x1;
	s7 =	sadd.s32 s22, s5  }
0x9f: {  	[timem:s9], [sflag:s23] =	dma.local [hbm:s7], s21  }
0xa0: {  	_ =	swait.ge [sflag:s23], s21  }
0xa1: {  	s6 =	ssub.s32 $0x0, s21;
	[sflag:s23] =	ssyncset.done $0x0  }
0xa2: {  	[sflag:s23] =	ssyncadd.s32 s6;
	_ =	sdelay $0x1  }
0xa3: {  	s24 =	simm.s32 $0x1B8B  }
0xa4: {  	_ =	swait.ge [sflag:s24], $0x1  }
0xa5: {  	[sflag:s24] =	ssyncset.done $0x0  }
0xa6: {  	s25 =	simm.s32 $0x1B8E;
	[sflag:s24] =	ssyncadd.s32 $0xFFFFFFFF  }
0xa7: {  	s26 =	simm.s32 $execute0_lowered;
	[smem:$0x3FD2] =	sst s25  }
0xa8: {  	s6 =	sshll.u32 s26, $0x1;
	_ =	strace $0x80000046;
	[dreg:$0x1] =	wrdreg $0xFFFFFFFF  }
0xa9: {  	s28 =	simm.s32 $_size_execute0_lowered;
	s5 =	sadd.s32 s5, s6;
	[dreg:$0x0] =	wrdreg $0x0  }
0xaa: {  	s6 =	sshll.u32 s28, $0x1;
	[dreg:$0x2] =	wrdreg s5  }
0xab: {  	[dreg:$0x3] =	wrdreg s6  }
0xac: {  	[dreg:$0x4] =	wrdreg $0xC0  }
0xad: {  	_ =	task [dreg:s9], $0x5FFFF  }
0xae: {  	[dreg:$0x1] =	wrdreg $0xFFFFFFFF  }
0xaf: {  	[dreg:$0x0] =	wrdreg $0x60  }
0xb0: {  	[dreg:$0x2] =	wrdreg s2  }
0xb1: {  	[dreg:$0x3] =	wrdreg s19  }
0xb2: {  	[dreg:$0x4] =	wrdreg s4  }
0xb3: {  	[dreg:$0x5] =	wrdreg $0xC800  }
0xb4: {  	[dreg:$0x6] =	wrdreg $0x9  }
0xb5: {  	_ =	task.clear_ibuf [dreg:s9], $0x7FFFF;
	_ =	strace $0x90000046  }
0xb6: {  	s29 =	simm.s32 $0x9;
	_ =	strace $0x80000048  }
0xb7: {  	_ =	swait.ge [sflag:s29], $0x1  }
0xb8: {  	[sflag:s29] =	ssyncadd.s32 $0xFFFFFFFF  }
0xb9: {  	_ =	strace $0x90000048  }
0xba: {  	_ =	sfence  }
0xbb: {  	s30 =	sld [smem:$0x0];
	_ =	sdelay $0x2  }
0xbc: {  	s31 =	sshll.u32 s1, $0xD;
	s1 =	sshrl.u32 s1, $0x2  }
0xbd: {  	s3 =	sand.u32 $0x4000, s31;
	s1 =	sadd.s32 s1, s30  }
0xbe: {  	s0 =	sor.u32 s3, s0;
	s1 =	sshll.u32 s1, $0x11  }
0xbf: {  	s0 =	sor.u32 s1, s0  }
0xc0: {  	s0 =	sadd.s32 $0x8F2B, s0  }
0xc1: {  	[sflag:s0] =	ssyncadd.remote.s32 $0x1  }
0xc2: {  	_ =	sfence.sel $0xFFFF  }
0xc3: {  	[dreg:$0x0] =	wrdreg $0xFFFFFFFF;
	(pc) =	sbr.abs _section_cstart, $3  }
0xc4: {  	[dreg:$0x1] =	wrdreg $0xFFFFFFFF  }
0xc5: {  	_ =	task.clear_ibuf [dreg:s9], $0x2FFFF;
	_ =	strace $0x9FFFFFFF  }
0xc6: {  	(tm) =	ssettm $0x7FFFFFFF  }
0xc7: {  	_ =	shalt  }
tec
execute0_lowered:
.L_overlay_start_1:
0x0: {  	(tag) =	ssettag $0x1  }
0x1: {  	s1 =	rddreg [dreg:$0x0]  }
0x2: {  	s8 =	rddreg [dreg:$0x1]  }
0x3: {  	s2 =	rddreg [dreg:$0x2];
	s0 =	srdreg.scid  }
0x4: {  	s12 =	stileid.u32;
	s3 =	rddreg [dreg:$0x3];
	s30 =	simm.s32 $0x6  }
0x5: {  	s31 =	simm.s32 $0x9;
	s29 =	simm.s32 $0x16C80;
	s0 =	sand.u32 $0x1, s0  }
0x6: {  	s4 =	sshll.u32 s12, $0x1;
	p0 =	slt.u32 s12, $0x7;
	s10 =	sshll.u32 s12, $0xD  }
0x7: {  	s11 =	sshll.u32 s12, $0xA;
	s13 =	sshll.u32 s12, $0x6;
	s7 =	sor.u32 s0, s4  }
0x8: {  	s4 =	simm.s32 $0x0;
	s0 =	ssub.s32 $0x2, s0;
	s10 =	sadd.s32 s10, s3  }
0x9: {  	s1 =	sadd.s32 s1, s11;
	s11 =	simm.s32 $0x0;
	s5 =	smul.u32 $0x18, s7  }
0xa: {  	[smem:$0x7FF] =	sst s4;
	s6 =	sshrl.u32 s0, $0x1;
	s9 =	smin.u32 s7, $0xE  }
0xb: {  	_ =	strace $0x80000047;
	s0 =	ssub.s32 s0, s6;
	s6 =	simm.s32 $0x18  }
0xc: {  	[dreg:$0x5] =	wrdreg s1;
	s1 =	sor.u32 $0x1C0F, s13;
	s5 =	sadd.s32 s9, s5  }
0xd: {  	s6 =	simm.s32 @!p0 $0x17;
	p0 =	seq.s32 s7, $0x1F;
	[dreg:$0x6] =	wrdreg s1  }
0xe: {  	s0 =	smax.u32 s0, $0x1;
	s9 =	sshll.u32 s5, $0x7;
	s19 =	sshll.u32 s5, $0xB  }
0xf: {  	[dreg:$0x1c] =	wrdreg s0;
	s0 =	simm.s32 $0xB;
	s7 =	smov.u32 s9  }
0x10: {  	s16 =	sadd.s32 $0x80, s9;
	s18 =	sadd.s32 $0x100, s9;
	s21 =	sadd.s32 s2, s19  }
0x11: {  	s22 =	sadd.s32 $0x180, s9;
	s23 =	sadd.s32 $0x200, s9;
	s12 =	sadd.s32 $0x9800, s19  }
0x12: {  	s7 =	simm.s32 @p0 $0x17A20;
	[dreg:$0xa] =	wrdreg s21;
	s1 =	sshll.u32 s16, $0x4  }
0x13: {  	s25 =	sshll.u32 s18, $0x4;
	s26 =	sshll.u32 s22, $0x4;
	s17 =	ssub.s32 s16, s7  }
0x14: {  	s28 =	sshll.u32 s23, $0x4;
	s20 =	ssub.s32 s18, s7;
	[dreg:$0x8] =	wrdreg s17  }
0x15: {  	s14 =	sshrl.u32 s7, $0x3;
	s13 =	ssub.s32 s22, s7;
	[dreg:$0x9] =	wrdreg s20  }
0x16: {  	s1 =	sadd.s32 s2, s1;
	s24 =	ssub.s32 s23, s7;
	[dreg:$0xb] =	wrdreg s13  }
0x17: {  	s16 =	ssub.s32 s9, s7;
	s15 =	sadd.s32 s8, s14;
	[dreg:$0xc] =	wrdreg s1  }
0x18: {  	[dreg:$0xd] =	wrdreg s24;
	s1 =	sadd.s32 s2, s25;
	s8 =	sadd.s32 s2, s28  }
0x19: {  	s13 =	sadd.s32 $0xA000, s19;
	s14 =	sadd.s32 $0x17, s5;
	s17 =	sadd.s32 $0xA80, s9  }
0x1a: {  	s9 =	sadd.s32 $0xB00, s9;
	s20 =	sadd.s32 s6, s5;
	[dreg:$0x12] =	wrdreg s16  }
0x1b: {  	s24 =	sshrl.u32 s10, $0x3;
	s25 =	sadd.s32 $0x280, s16;
	[dreg:$0x7] =	wrdreg s15  }
0x1c: {  	s28 =	sadd.s32 $0x9, s5;
	[dreg:$0xe] =	wrdreg s1;
	s1 =	sadd.s32 s2, s26  }
0x1d: {  	[dreg:$0x10] =	wrdreg s8;
	s15 =	sand.u32 $0x1FFFF800, s13;
	p0 =	seq.s32 s14, $0x30D  }
0x1e: {  	s8 =	sshll.u32 s14, $0x7;
	s18 =	ssub.s32 s17, s7;
	s19 =	sshll.u32 s17, $0x4  }
0x1f: {  	s21 =	ssub.s32 s9, s7;
	s9 =	sshll.u32 s9, $0x4;
	[dreg:$0x1d] =	wrdreg s24  }
0x20: {  	[dreg:$0x1e] =	wrdreg s25;
	s26 =	sadd.s32 $0x300, s16;
	s13 =	sadd.s32 $0x7, s5  }
0x21: {  	s16 =	sadd.s32 $0x5, s5;
	[smem:$0x7FD] =	sst s28;
	s24 =	simm.s32 $0x3  }
0x22: {  	s25 =	simm.s32 $0x1AC80;
	s14 =	simm.s32 $0xE;
	[dreg:$0xf] =	wrdreg s1  }
0x23: {  	s1 =	sand.u32 $0x1FFFF800, s12;
	s8 =	simm.s32 @p0 $0x18620;
	[dreg:$0x14] =	wrdreg s18  }
0x24: {  	p0 =	seq.s32 s20, $0x30D;
	[dreg:$0x16] =	wrdreg s21;
	s9 =	sadd.s32 s2, s9  }
0x25: {  	[dreg:$0x1f] =	wrdreg s26;
	s26 =	simm.s32 $0x4;
	s21 =	simm.s32 $0x8  }
0x26: {  	s1 =	sadd.s32 s2, s1;
	[dreg:$0x17] =	wrdreg s9;
	s22 =	ssub.s32 s8, s7  }
0x27: {  	s8 =	sshll.u32 s8, $0x4;
	s9 =	simm.s32 $0xD;
	[dreg:$0x11] =	wrdreg s1  }
0x28: {  	s1 =	sadd.s32 s2, s15;
	[dreg:$0x18] =	wrdreg s22;
	s8 =	sadd.s32 s2, s8  }
0x29: {  	s15 =	simm.s32 $0x80;
	[dreg:$0x13] =	wrdreg s1;
	s1 =	sadd.s32 s2, s19  }
0x2a: {  	s22 =	simm.s32 $0x5;
	[dreg:$0x15] =	wrdreg s1;
	s1 =	sshll.u32 s20, $0x7  }
0x2b: {  	[dreg:$0x19] =	wrdreg s8;
	s19 =	simm.s32 $0x16C80;
	s1 =	simm.s32 @p0 $0x18620  }
0x2c: {  	s8 =	simm.s32 $0xC;
	s23 =	ssub.s32 s1, s7;
	s1 =	sshll.u32 s1, $0x4  }
0x2d: {  	s20 =	simm.s32 $0x12C80;
	[dreg:$0x1a] =	wrdreg s23;
	s1 =	sadd.s32 s2, s1  }
0x2e: {  	s23 =	sadd.s32 $0x6, s5;
	[dreg:$0x1b] =	wrdreg s1;
	s1 =	simm.s32 $0xA  }
.LBB2_1:
0x2f: {  	[smem:$0x7FC] =	sst s11  }
0x30: {  	s10 =	rddreg [dreg:$0x5]  }
0x31: {  	s18 =	rddreg [dreg:$0x6]  }
0x32: {  	s12 =	rddreg [dreg:$0x1d];
	s28 =	simm.s32 $0xF  }
0x33: {  	[spmem:s12], [sflag:s18] =	dma.local [hbm:s10], $0x400  }
0x34: {  	_ =	swait.ge [sflag:s28], $0x400  }
0x35: {  	[sflag:s28] =	ssyncset.done $0x0  }
0x36: {  	s12 =	rddreg [dreg:$0x7];
	[sflag:s28] =	ssyncadd.s32 $0xFFFFFC00  }
0x37: {  	[tilespmem:s4], [sflag:$0xF] =	stream.linear.gather [hbm4b:s12+s4], $0xC80, $0x38;
	[tilespmem:$0x1EC80] =	vst v63  }
0x38: {  	_ =	swait.ge [sflag:s28], $0xC80  }
0x39: {  	[sflag:s28] =	ssyncset.done $0x0  }
0x3a: {  	[sflag:s28] =	ssyncadd.s32 $0xFFFFF380  }
0x3b: {  	[bflag:$0x0] =	sbarrier.arrive $0xFFFF  }
0x3c: {  	s11 =	simm.s32 $0x2C80;
	s17 =	rddreg [dreg:$0x12]  }
0x3d: {  	[tilespmem:s11], [sflag:$0x1] =	stream.indirect.gather [spmem:s3], $0x80, s17, s15, $0xb8;
	[tilespmem:$0x1EC80] =	vst v63  }
0x3e: {  	s12 =	simm.s32 $0x6C80;
	s18 =	rddreg [dreg:$0x8]  }
0x3f: {  	[tilespmem:s12], [sflag:$0x2] =	stream.indirect.gather [spmem:s3], $0x80, s18, s15, $0xb8;
	[tilespmem:$0x1EC80] =	vst v63  }
0x40: {  	s28 =	rddreg [dreg:$0x9];
	s17 =	simm.s32 $0xAC80;
	s18 =	simm.s32 $0x1  }
0x41: {  	[tilespmem:s17], [sflag:$0x3] =	stream.indirect.gather [spmem:s3], $0x80, s28, s15, $0xb8;
	[tilespmem:$0x1EC80] =	vst v63  }
0x42: {  	_ =	swait.ge [sflag:s18], $0x4000  }
0x43: {  	[sflag:s18] =	ssyncset.done $0x0  }
0x44: {  	s28 =	rddreg [dreg:$0xa];
	[sflag:s18] =	ssyncadd.s32 $0xFFFFC000  }
0x45: {  	[hbm4b:s28+s4] =	stream.linear.scatter [tilespmem:s11], [sflag:$0x8], $0x4000, $0x38;
	[tilespmem:$0x1EC80] =	vst v63  }
0x46: {  	s18 =	rddreg [dreg:$0xb];
	s11 =	simm.s32 $0xEC80;
	s28 =	simm.s32 $0x2  }
0x47: {  	[tilespmem:s11], [sflag:$0x4] =	stream.indirect.gather [spmem:s3], $0x80, s18, s15, $0xb8;
	[tilespmem:$0x1EC80] =	vst v63  }
0x48: {  	_ =	swait.ge [sflag:s28], $0x4000  }
0x49: {  	[sflag:s28] =	ssyncset.done $0x0  }
0x4a: {  	s18 =	rddreg [dreg:$0xc];
	[sflag:s28] =	ssyncadd.s32 $0xFFFFC000  }
0x4b: {  	[hbm4b:s18+s4] =	stream.linear.scatter [tilespmem:s12], [sflag:$0x9], $0x4000, $0x38;
	[tilespmem:$0x1EC80] =	vst v63  }
0x4c: {  	s28 =	rddreg [dreg:$0xd]  }
0x4d: {  	[tilespmem:s20], [sflag:$0x5] =	stream.indirect.gather [spmem:s3], $0x80, s28, s15, $0xb8;
	[tilespmem:$0x1EC80] =	vst v63  }
0x4e: {  	_ =	swait.ge [sflag:s24], $0x4000  }
0x4f: {  	[sflag:s24] =	ssyncset.done $0x0  }
0x50: {  	s12 =	rddreg [dreg:$0xe];
	[sflag:s24] =	ssyncadd.s32 $0xFFFFC000  }
0x51: {  	[hbm4b:s12+s4] =	stream.linear.scatter [tilespmem:s17], [sflag:$0xA], $0x4000, $0x38;
	[tilespmem:$0x1EC80] =	vst v63  }
0x52: {  	s17 =	rddreg [dreg:$0x1e]  }
0x53: {  	[tilespmem:s19], [sflag:$0x6] =	stream.indirect.gather [spmem:s3], $0x80, s17, s15, $0xb8;
	[tilespmem:$0x1EC80] =	vst v63  }
0x54: {  	_ =	swait.ge [sflag:s26], $0x4000  }
0x55: {  	[sflag:s26] =	ssyncset.done $0x0  }
0x56: {  	s18 =	rddreg [dreg:$0xf];
	[sflag:s26] =	ssyncadd.s32 $0xFFFFC000  }
0x57: {  	[hbm4b:s18+s4] =	stream.linear.scatter [tilespmem:s11], [sflag:$0xB], $0x4000, $0x38;
	[tilespmem:$0x1EC80] =	vst v63  }
0x58: {  	s19 =	rddreg [dreg:$0x1f]  }
0x59: {  	[tilespmem:s25], [sflag:$0x7] =	stream.indirect.gather [spmem:s3], $0x80, s19, s15, $0xb8;
	[tilespmem:$0x1EC80] =	vst v63  }
0x5a: {  	_ =	swait.ge [sflag:s22], $0x4000  }
0x5b: {  	p0 =	por $0x1, $0x1;
	[sflag:s22] =	ssyncset.done $0x0;
	s28 =	rddreg [dreg:$0x10]  }
0x5c: {  	s10 =	simm.s32 $0x0;
	s18 =	sld [smem:$0x7FD];
	[sflag:s22] =	ssyncadd.s32 $0xFFFFC000  }
0x5d: {  	[hbm4b:s28+s4] =	stream.linear.scatter [tilespmem:s20], [sflag:$0xC], $0x4000, $0x38;
	[tilespmem:$0x1EC80] =	vst v63  }
.LBB2_2:
0x5e: {  	_ =	swait.ge [sflag:s21], $0x4000;
	s11 =	sadd.s32 s13, s10  }
0x5f: {  	s28 =	simm.s32 $0x2C80;
	[sflag:s21] =	ssyncset.done $0x0;
	s12 =	sshll.u32 s11, $0x7  }
0x60: {  	s22 =	sadd.s32 s16, s10;
	[sflag:s21] =	ssyncadd.s32 $0xFFFFC000;
	s12 =	ssub.s32 s12, s7  }
0x61: {  	[tilespmem:s28], [sflag:$0x1] =	stream.indirect.gather [spmem:s3], $0x80, s12, s15, $0xb8;
	[tilespmem:$0x1EC80] =	vst v63  }
0x62: {  	s25 =	sadd.s32 s10, s5;
	s12 =	sshll.u32 s22, $0xB;
	_ =	swait.ge [sflag:s30], $0x4000  }
0x63: {  	s20 =	simm.s32 $0x6C80;
	s12 =	sand.u32 $0x1FFFF800, s12;
	[sflag:s30] =	ssyncset.done $0x0  }
0x64: {  	s19 =	simm.s32 $0x7;
	s12 =	sadd.s32 s2, s12;
	[sflag:s30] =	ssyncadd.s32 $0xFFFFC000  }
0x65: {  	[hbm4b:s12+s4] =	stream.linear.scatter [tilespmem:s29], [sflag:$0xD], $0x4000, $0x38;
	[tilespmem:$0x1EC80] =	vst v63  }
0x66: {  	s22 =	sadd.s32 s23, s10;
	s12 =	sadd.s32 $0x8, s25;
	_ =	swait.ge [sflag:s31], $0x4000  }
0x67: {  	s25 =	smov.u32 s16;
	s17 =	sshll.u32 s12, $0x7;
	[sflag:s31] =	ssyncset.done $0x0  }
0x68: {  	s16 =	smov.u32 s13;
	s13 =	ssub.s32 s17, s7;
	[sflag:s31] =	ssyncadd.s32 $0xFFFFC000  }
0x69: {  	[tilespmem:s20], [sflag:$0x2] =	stream.indirect.gather [spmem:s3], $0x80, s13, s15, $0xb8;
	[tilespmem:$0x1EC80] =	vst v63  }
0x6a: {  	s17 =	smov.u32 s23;
	s23 =	sshll.u32 s22, $0xB;
	_ =	swait.ge [sflag:s19], $0x4000  }
0x6b: {  	s23 =	sand.u32 $0x1FFFF800, s23;
	[sflag:s19] =	ssyncset.done $0x0  }
0x6c: {  	s22 =	simm.s32 $0x1AC80;
	s23 =	sadd.s32 s2, s23;
	[sflag:s19] =	ssyncadd.s32 $0xFFFFC000  }
0x6d: {  	[hbm4b:s23+s4] =	stream.linear.scatter [tilespmem:s22], [sflag:$0xE], $0x4000, $0x38;
	[tilespmem:$0x1EC80] =	vst v63  }
0x6e: {  	s13 =	sadd.s32 s18, s10;
	_ =	swait.ge [sflag:s1], $0x4000  }
0x6f: {  	s19 =	sshll.u32 s13, $0x7;
	[sflag:s1] =	ssyncset.done $0x0  }
0x70: {  	s23 =	ssub.s32 s19, s7;
	s19 =	simm.s32 $0xAC80;
	[sflag:s1] =	ssyncadd.s32 $0xFFFFC000  }
0x71: {  	[tilespmem:s19], [sflag:$0x3] =	stream.indirect.gather [spmem:s3], $0x80, s23, s15, $0xb8;
	[tilespmem:$0x1EC80] =	vst v63  }
0x72: {  	s23 =	simm.s32 $0x1  }
0x73: {  	_ =	swait.ge [sflag:s23], $0x4000  }
0x74: {  	s11 =	sshll.u32 s11, $0xB;
	[sflag:s23] =	ssyncset.done $0x0  }
0x75: {  	s11 =	sadd.s32 s2, s11;
	[sflag:s23] =	ssyncadd.s32 $0xFFFFC000  }
0x76: {  	[hbm4b:s11+s4] =	stream.linear.scatter [tilespmem:s28], [sflag:$0x8], $0x4000, $0x38;
	[tilespmem:$0x1EC80] =	vst v63  }
0x77: {  	s11 =	sadd.s32 $0xA, s10  }
0x78: {  	s23 =	smov.u32 s6;
	p1 =	slt.s32 s11, s6  }
0x79: {  	s23 =	smov.u32 @p1 s11  }
0x7a: {  	_ =	swait.ge [sflag:s0], $0x4000;
	s11 =	sadd.s32 s5, s23  }
0x7b: {  	[sflag:s0] =	ssyncset.done $0x0;
	s23 =	sshll.u32 s11, $0x7  }
0x7c: {  	s28 =	simm.s32 $0xEC80;
	[sflag:s0] =	ssyncadd.s32 $0xFFFFC000;
	s23 =	ssub.s32 s23, s7  }
0x7d: {  	[tilespmem:s28], [sflag:$0x4] =	stream.indirect.gather [spmem:s3], $0x80, s23, s15, $0xb8;
	[tilespmem:$0x1EC80] =	vst v63  }
0x7e: {  	s23 =	simm.s32 $0x2  }
0x7f: {  	_ =	swait.ge [sflag:s23], $0x4000  }
0x80: {  	s12 =	sshll.u32 s12, $0xB;
	[sflag:s23] =	ssyncset.done $0x0  }
0x81: {  	s12 =	sadd.s32 s2, s12;
	[sflag:s23] =	ssyncadd.s32 $0xFFFFC000  }
0x82: {  	[hbm4b:s12+s4] =	stream.linear.scatter [tilespmem:s20], [sflag:$0x9], $0x4000, $0x38;
	[tilespmem:$0x1EC80] =	vst v63  }
0x83: {  	s12 =	sadd.s32 $0xB, s10  }
0x84: {  	s23 =	smov.u32 s6;
	p1 =	slt.s32 s12, s6  }
0x85: {  	s23 =	smov.u32 @p1 s12  }
0x86: {  	_ =	swait.ge [sflag:s8], $0x4000;
	s12 =	sadd.s32 s5, s23  }
0x87: {  	[sflag:s8] =	ssyncset.done $0x0;
	s23 =	sshll.u32 s12, $0x7  }
0x88: {  	s20 =	simm.s32 $0x12C80;
	[sflag:s8] =	ssyncadd.s32 $0xFFFFC000;
	s23 =	ssub.s32 s23, s7  }
0x89: {  	[tilespmem:s20], [sflag:$0x5] =	stream.indirect.gather [spmem:s3], $0x80, s23, s15, $0xb8;
	[tilespmem:$0x1EC80] =	vst v63  }
0x8a: {  	_ =	swait.ge [sflag:s24], $0x4000  }
0x8b: {  	s13 =	sshll.u32 s13, $0xB;
	[sflag:s24] =	ssyncset.done $0x0  }
0x8c: {  	s13 =	sadd.s32 s2, s13;
	[sflag:s24] =	ssyncadd.s32 $0xFFFFC000  }
0x8d: {  	[hbm4b:s13+s4] =	stream.linear.scatter [tilespmem:s19], [sflag:$0xA], $0x4000, $0x38;
	[tilespmem:$0x1EC80] =	vst v63  }
0x8e: {  	s13 =	sadd.s32 $0xC, s10  }
0x8f: {  	s23 =	smov.u32 s6;
	p1 =	slt.s32 s13, s6  }
0x90: {  	s23 =	smov.u32 @p1 s13  }
0x91: {  	_ =	swait.ge [sflag:s9], $0x4000;
	s13 =	sadd.s32 s5, s23  }
0x92: {  	[sflag:s9] =	ssyncset.done $0x0;
	s13 =	sshll.u32 s13, $0x7  }
0x93: {  	[sflag:s9] =	ssyncadd.s32 $0xFFFFC000;
	s13 =	ssub.s32 s13, s7  }
0x94: {  	[tilespmem:s29], [sflag:$0x6] =	stream.indirect.gather [spmem:s3], $0x80, s13, s15, $0xb8;
	[tilespmem:$0x1EC80] =	vst v63  }
0x95: {  	_ =	swait.ge [sflag:s26], $0x4000  }
0x96: {  	s11 =	sshll.u32 s11, $0xB;
	[sflag:s26] =	ssyncset.done $0x0  }
0x97: {  	s11 =	sadd.s32 s2, s11;
	s10 =	sadd.s32 $0xD, s10;
	[sflag:s26] =	ssyncadd.s32 $0xFFFFC000  }
0x98: {  	[hbm4b:s11+s4] =	stream.linear.scatter [tilespmem:s28], [sflag:$0xB], $0x4000, $0x38;
	[tilespmem:$0x1EC80] =	vst v63  }
0x99: {  	p1 =	slt.s32 s10, s6;
	s11 =	smov.u32 s6  }
0x9a: {  	s11 =	smov.u32 @p1 s10  }
0x9b: {  	_ =	swait.ge [sflag:s14], $0x4000;
	s10 =	sadd.s32 s5, s11  }
0x9c: {  	[sflag:s14] =	ssyncset.done $0x0;
	s10 =	sshll.u32 s10, $0x7  }
0x9d: {  	[sflag:s14] =	ssyncadd.s32 $0xFFFFC000;
	s10 =	ssub.s32 s10, s7  }
0x9e: {  	[tilespmem:s22], [sflag:$0x7] =	stream.indirect.gather [spmem:s3], $0x80, s10, s15, $0xb8;
	[tilespmem:$0x1EC80] =	vst v63  }
0x9f: {  	s19 =	simm.s32 $0x16C80;
	p1 =	por p0, p0;
	s22 =	simm.s32 $0x5  }
.Ltmp0:
0xa0: {  	s23 =	smov.u32 s17;
	_ =	swait.ge [sflag:s22], $0x4000;
	(pc) =	sbr.rel @p1 .LBB2_2-.Ltmp0, $4  }
0xa1: {  	s13 =	smov.u32 s16;
	s28 =	sshll.u32 s12, $0xB;
	[sflag:s22] =	ssyncset.done $0x0  }
0xa2: {  	s16 =	smov.u32 s25;
	s10 =	sadd.s32 s2, s28;
	[sflag:s22] =	ssyncadd.s32 $0xFFFFC000  }
0xa3: {  	[hbm4b:s10+s4] =	stream.linear.scatter [tilespmem:s20], [sflag:$0xC], $0x4000, $0x38;
	[tilespmem:$0x1EC80] =	vst v63  }
0xa4: {  	s25 =	simm.s32 $0x1AC80;
	p0 =	por $0x0, $0x0;
	s10 =	simm.s32 $0x7  }
0xa5: {  	_ =	swait.ge [sflag:s21], $0x4000  }
0xa6: {  	[sflag:s21] =	ssyncset.done $0x0  }
0xa7: {  	s11 =	simm.s32 $0x2C80;
	s10 =	rddreg [dreg:$0x14];
	[sflag:s21] =	ssyncadd.s32 $0xFFFFC000  }
0xa8: {  	[tilespmem:s11], [sflag:$0x1] =	stream.indirect.gather [spmem:s3], $0x80, s10, s15, $0xb8;
	[tilespmem:$0x1EC80] =	vst v63  }
0xa9: {  	_ =	swait.ge [sflag:s30], $0x4000  }
0xaa: {  	[sflag:s30] =	ssyncset.done $0x0  }
0xab: {  	s17 =	rddreg [dreg:$0x11];
	[sflag:s30] =	ssyncadd.s32 $0xFFFFC000  }
0xac: {  	[hbm4b:s17+s4] =	stream.linear.scatter [tilespmem:s19], [sflag:$0xD], $0x4000, $0x38;
	[tilespmem:$0x1EC80] =	vst v63  }
0xad: {  	_ =	swait.ge [sflag:s31], $0x4000  }
0xae: {  	s12 =	simm.s32 $0x6C80;
	[sflag:s31] =	ssyncset.done $0x0  }
0xaf: {  	s28 =	simm.s32 $0x7;
	s18 =	rddreg [dreg:$0x16];
	[sflag:s31] =	ssyncadd.s32 $0xFFFFC000  }
0xb0: {  	[tilespmem:s12], [sflag:$0x2] =	stream.indirect.gather [spmem:s3], $0x80, s18, s15, $0xb8;
	[tilespmem:$0x1EC80] =	vst v63  }
0xb1: {  	_ =	swait.ge [sflag:s28], $0x4000  }
0xb2: {  	[sflag:s28] =	ssyncset.done $0x0  }
0xb3: {  	s17 =	rddreg [dreg:$0x13];
	[sflag:s28] =	ssyncadd.s32 $0xFFFFC000  }
0xb4: {  	[hbm4b:s17+s4] =	stream.linear.scatter [tilespmem:s25], [sflag:$0xE], $0x4000, $0x38;
	[tilespmem:$0x1EC80] =	vst v63  }
0xb5: {  	_ =	swait.ge [sflag:s1], $0x4000  }
0xb6: {  	s28 =	simm.s32 $0x1;
	[sflag:s1] =	ssyncset.done $0x0  }
0xb7: {  	s17 =	simm.s32 $0xAC80;
	s18 =	rddreg [dreg:$0x18];
	[sflag:s1] =	ssyncadd.s32 $0xFFFFC000  }
0xb8: {  	[tilespmem:s17], [sflag:$0x3] =	stream.indirect.gather [spmem:s3], $0x80, s18, s15, $0xb8;
	[tilespmem:$0x1EC80] =	vst v63  }
0xb9: {  	_ =	swait.ge [sflag:s28], $0x4000  }
0xba: {  	[sflag:s28] =	ssyncset.done $0x0  }
0xbb: {  	s18 =	rddreg [dreg:$0x15];
	[sflag:s28] =	ssyncadd.s32 $0xFFFFC000  }
0xbc: {  	[hbm4b:s18+s4] =	stream.linear.scatter [tilespmem:s11], [sflag:$0x8], $0x4000, $0x38;
	[tilespmem:$0x1EC80] =	vst v63  }
0xbd: {  	_ =	swait.ge [sflag:s0], $0x4000  }
0xbe: {  	s11 =	simm.s32 $0xEC80;
	[sflag:s0] =	ssyncset.done $0x0  }
0xbf: {  	s18 =	simm.s32 $0x2;
	s28 =	rddreg [dreg:$0x1a];
	[sflag:s0] =	ssyncadd.s32 $0xFFFFC000  }
0xc0: {  	[tilespmem:s11], [sflag:$0x4] =	stream.indirect.gather [spmem:s3], $0x80, s28, s15, $0xb8;
	[tilespmem:$0x1EC80] =	vst v63  }
0xc1: {  	_ =	swait.ge [sflag:s18], $0x4000  }
0xc2: {  	[sflag:s18] =	ssyncset.done $0x0  }
0xc3: {  	s28 =	rddreg [dreg:$0x17];
	[sflag:s18] =	ssyncadd.s32 $0xFFFFC000  }
0xc4: {  	[hbm4b:s28+s4] =	stream.linear.scatter [tilespmem:s12], [sflag:$0x9], $0x4000, $0x38;
	[tilespmem:$0x1EC80] =	vst v63  }
0xc5: {  	_ =	swait.ge [sflag:s24], $0x4000  }
0xc6: {  	[sflag:s24] =	ssyncset.done $0x0  }
0xc7: {  	s12 =	rddreg [dreg:$0x19];
	[sflag:s24] =	ssyncadd.s32 $0xFFFFC000  }
0xc8: {  	[hbm4b:s12+s4] =	stream.linear.scatter [tilespmem:s17], [sflag:$0xA], $0x4000, $0x38;
	[tilespmem:$0x1EC80] =	vst v63  }
0xc9: {  	_ =	swait.ge [sflag:s26], $0x4000  }
0xca: {  	[sflag:s26] =	ssyncset.done $0x0  }
0xcb: {  	s17 =	rddreg [dreg:$0x1b];
	[sflag:s26] =	ssyncadd.s32 $0xFFFFC000  }
0xcc: {  	[hbm4b:s17+s4] =	stream.linear.scatter [tilespmem:s11], [sflag:$0xB], $0x4000, $0x38;
	[tilespmem:$0x1EC80] =	vst v63  }
0xcd: {  	_ =	swait.ge [sflag:s8], $0x4000  }
0xce: {  	[sflag:s8] =	ssyncset.done $0x0  }
0xcf: {  	[sflag:s8] =	ssyncadd.s32 $0xFFFFC000  }
0xd0: {  	_ =	swait.ge [sflag:s9], $0x4000  }
0xd1: {  	[sflag:s9] =	ssyncset.done $0x0  }
0xd2: {  	[sflag:s9] =	ssyncadd.s32 $0xFFFFC000  }
0xd3: {  	_ =	swait.ge [sflag:s14], $0x4000  }
0xd4: {  	[sflag:s14] =	ssyncset.done $0x0  }
0xd5: {  	[sflag:s14] =	ssyncadd.s32 $0xFFFFC000  }
0xd6: {  	_ =	swait.ge [sflag:s21], $0x4000  }
0xd7: {  	[sflag:s21] =	ssyncset.done $0x0  }
0xd8: {  	[sflag:s21] =	ssyncadd.s32 $0xFFFFC000  }
0xd9: {  	_ =	swait.ge [sflag:s31], $0x4000  }
0xda: {  	[sflag:s31] =	ssyncset.done $0x0  }
0xdb: {  	[sflag:s31] =	ssyncadd.s32 $0xFFFFC000  }
0xdc: {  	_ =	swait.ge [sflag:s1], $0x4000  }
0xdd: {  	[sflag:s1] =	ssyncset.done $0x0  }
0xde: {  	[sflag:s1] =	ssyncadd.s32 $0xFFFFC000  }
0xdf: {  	_ =	swait.ge [sflag:s0], $0x4000  }
0xe0: {  	s18 =	sld [smem:$0x7FC];
	_ =	sdelay $0x2  }
0xe1: {  	s28 =	rddreg [dreg:$0x1c];
	s11 =	sadd.s32 $0x1, s18  }
0xe2: {  	p0 =	sne.s32 s11, s28  }
.Ltmp1:
0xe3: {  	_ = 	snop;
	(pc) =	sbr.rel @p0 .LBB2_1-.Ltmp1, $3  }
0xe4: {  	_ =	sdelay $0x1  }
0xe5: {  	[sflag:s0] =	ssyncset.done $0x0  }
0xe6: {  	[sflag:s0] =	ssyncadd.s32 $0xFFFFC000  }
0xe7: {  	_ =	sfence.sel $0x180000  }
0xe8: {  	[bflag:$0x0] =	sbarrier.arrive $0xFFFF  }
0xe9: {  	_ =	strace $0x90000047  }
0xea: {  	s0 =	stileid.u32;
	[bflag:$0x2] =	sbarrier.arrive $0xFFFF  }
0xeb: {  	p0 =	sne.s32 s0, $0x0;
	s0 =	rddreg [dreg:$0x4]  }
0xec: {  	s0 =	sadd.s32 @!p0 $0x100000, s0  }
0xed: {  	[sflag:s0] =	ssyncadd.tile.s32 @!p0 $0x1;
	_ =	shalt  }
.Lfunc_end2:
_tile_overlayer_lowered:
.L_overlay_start_2:
0xee: {  	(tag) =	ssettag $0x2  }
0xef: {  	s0 =	rddreg [dreg:$0x0];
	s2 =	stileid.u32  }
0xf0: {  	s1 =	rddreg [dreg:$0x1];
	p0 =	sne.s32 s2, $0x0  }
0xf1: {  	s3 =	rddreg [dreg:$0x2];
	[bflag:$0x3] =	sbarrier.arrive $0xFFFF;
	s2 =	simm.s32 @!p0 $0x1C0F  }
0xf2: {  	[timem:s3], [sflag:s2] =	dma.local @!p0 [hbm:s0], s1  }
0xf3: {  	s0 =	simm.s32 @!p0 $0xF  }
0xf4: {  	_ =	swait.ge @!p0 [sflag:s0], s1  }
0xf5: {  	s1 =	ssub.s32 @!p0 $0x0, s1;
	[sflag:s0] =	ssyncset.done @!p0 $0x0  }
0xf6: {  	[sflag:s0] =	ssyncadd.s32 @!p0 s1  }
0xf7: {  	[bflag:$0x3] =	sbarrier.arrive $0xFFFF  }
0xf8: {  	_ =	shalt  }

</sc_bundles>
